<compile_context>
chip_gen: v7x
topology: tpu7x:2x2x1
jax: 0.10.2.dev20260603
libtpu: 0.0.44.dev20260713+nightly
codegen_flags: <defaults>
</compile_context>

<pallas_src>
import functools

import jax
import jax.numpy as jnp
from jax import lax
from jax.experimental import pallas as pl
from jax.experimental.pallas import tpu as pltpu
from jax.experimental.pallas import tpu_sc as plsc

_F = 26
_B = 4096
_CHUNK = 128
_TC = 16384
_Q = 262144


@functools.cache
def _build_transpose(V, D):
    n_blk = _Q // _TC

    def tbody(x0, x1, x2, x3, out_ref):
        x = jnp.concatenate(
            [x0[...], x1[...], x2[...], x3[...]], axis=0)
        out_ref[...] = x.T

    last_blk = (V + _TC - 1) // _TC - 1

    def in_spec(a):
        return pl.BlockSpec(
            (D, _TC),
            lambda i, a=a: (0, jnp.minimum(a * n_blk + i, last_blk)))

    return pl.pallas_call(
        tbody,
        grid=(n_blk,),
        in_specs=[in_spec(a) for a in range(4)],
        out_specs=pl.BlockSpec((_TC, 4 * D), lambda i: (i, 0)),
        out_shape=jax.ShapeDtypeStruct((_Q, 4 * D), jnp.float32),
    )


@functools.cache
def _build(V, D, N):
    info = plsc.get_sparse_core_info()
    NC, NS, L = info.num_cores, info.num_subcores, info.num_lanes
    NW = NC * NS
    assert N % (NW * _CHUNK) == 0
    rpw = N // NW
    n_chunks = rpw // _CHUNK
    mesh = plsc.VectorSubcoreMesh(core_axis_name="c", subcore_axis_name="s")

    @functools.partial(
        pl.kernel,
        out_type=(
            jax.ShapeDtypeStruct((N, D), jnp.float32),
            jax.ShapeDtypeStruct((_F * L,), jnp.int32),
        ),
        mesh=mesh,
        compiler_params=pltpu.CompilerParams(use_tc_tiling_on_sc=False),
        scratch_types=[
            pltpu.VMEM((rpw,), jnp.int32),
            pltpu.VMEM((rpw, D), jnp.float32),
            pltpu.VMEM((_B,), jnp.int32),
            pltpu.VMEM((L,), jnp.int32),
            pltpu.SemaphoreType.DMA,
        ],
    )
    def gather_kernel(table_hbm, values_hbm, lengths_hbm, out_hbm, sums_hbm,
                      idx_v, rows_v, len_v, acc_v, gsem):
        wid = lax.axis_index("s") * NC + lax.axis_index("c")
        base = wid * rpw
        pltpu.sync_copy(values_hbm.at[pl.ds(base, rpw)], idx_v)

        def xform(s, _):
            x = idx_v[pl.ds(s * L, L)]
            neg = (lax.shift_right_logical(x - _Q, 31)
                   + lax.shift_right_logical(x - 2 * _Q, 31)
                   + lax.shift_right_logical(x - 3 * _Q, 31))
            a = 3 - neg
            idx_v[pl.ds(s * L, L)] = x * 4 + a * (1 - 4 * _Q)
            return 0

        lax.fori_loop(0, rpw // L, xform, 0)
        for j in range(n_chunks):
            pltpu.async_copy(table_hbm.at[idx_v.at[pl.ds(j * _CHUNK, _CHUNK)]],
                             rows_v.at[pl.ds(j * _CHUNK, _CHUNK)], gsem)

        @pl.when(wid < _F)
        def _():
            pltpu.sync_copy(lengths_hbm.at[pl.ds(wid * _B, _B)], len_v)

            def step(i, acc):
                return acc + len_v[pl.ds(i * L, L)]

            acc_v[...] = lax.fori_loop(0, _B // L, step,
                                       jnp.zeros((L,), jnp.int32))
            pltpu.sync_copy(acc_v, sums_hbm.at[pl.ds(wid * L, L)])

        pltpu.make_async_copy(out_hbm.at[pl.ds(base, rpw)], rows_v,
                              gsem).wait()
        pltpu.sync_copy(rows_v, out_hbm.at[pl.ds(base, rpw)])

    return gather_kernel


@jax.jit
def kernel(table, values, lengths):
    V, D = table.shape
    N = values.shape[0]
    L = 16
    tt = table.T
    packed = _build_transpose(V, D)(tt, tt, tt, tt)
    pseudo = packed.reshape(4 * _Q, D)
    rows, sums = _build(4 * _Q, D, N)(pseudo, values, lengths)
    split_embeddings = rows.reshape(_F, _B, D)
    reduce_lengths = sums.reshape(_F, L).sum(axis=1)
    offsets = jnp.concatenate([
        jnp.zeros((1,), reduce_lengths.dtype),
        jnp.cumsum(reduce_lengths),
    ])
    split_lengths = lengths.reshape(_F, _B)
    return split_embeddings, split_lengths, offsets

# --- scband reference (transcript-rebuilt; emitter-appended) ---
"""Pipeline reference for scband-exportable-embedding-16887811408716 (READ-ONLY COPY).

The authoritative reference and input builder live on the scoring server;
editing this copy changes nothing except your own understanding.
"""

import jax, jax.numpy as jnp
import numpy as np

F = 26        # num_features (sparse fields)
B = 4096      # batch size
V = 1000000   # vocab size (single shared table)
D = 32        # embedding_dim


def setup_inputs(seed: int = 0) -> dict:
    key = jax.random.key(seed)
    k1, k2 = jax.random.split(key)
    values = jax.random.randint(k1, (F * B,), 0, V, dtype=jnp.int32)
    lengths = jnp.ones((F * B,), dtype=jnp.int32)  # KJT lengths: one id per (feature, batch) slot
    table = jax.random.normal(k2, (V, D), dtype=jnp.float32) * 0.02
    return {"table": table, "values": values, "lengths": lengths}


def reference(table, values, lengths):
    # lengths_reduce_dim1: per-feature total lengths (sum over the batch dim)
    reduce_lengths = lengths.reshape(F, B).sum(axis=1)
    # offsets with leading zero (faithful to forward, used by the embedding table op)
    offsets = jnp.concatenate([
        jnp.zeros((1,), dtype=reduce_lengths.dtype),
        jnp.cumsum(reduce_lengths)
    ])
    # InferenceEmbeddingTable lookup == row gather from the table
    total_embeddings = jnp.take(table, values, axis=0)  # [F*B, D]
    # split_by_lengths into per-feature jagged values; with length-1 per slot
    # every feature owns exactly B rows, so the split is a static reshape.
    split_embeddings = total_embeddings.reshape(F, B, D)
    # lengths_splits: per-feature lengths
    split_lengths = lengths.reshape(F, B)
    return split_embeddings, split_lengths, offsets

if __name__ == "__main__":
    import jax
    _d = setup_inputs()
    print(jax.jit(kernel)(*tuple(_d.values())))

</pallas_src>

<mosaic_0001>
#map = affine_map<(d0, d1) -> (0, 0)>
#map1 = affine_map<(d0, d1) -> (0)>
module attributes {stable_mosaic.version = 14 : i64} {
  func.func @gather_kernel(%arg0: i32, %arg1: i32, %arg2: memref<1048576x32xf32, #tpu.memory_space<hbm>>, %arg3: memref<106496xi32, #tpu.memory_space<hbm>>, %arg4: memref<106496xi32, #tpu.memory_space<hbm>>, %arg5: memref<106496x32xf32, #tpu.memory_space<hbm>>, %arg6: memref<416xi32, #tpu.memory_space<hbm>>, %arg7: memref<3328xi32, #tpu.memory_space<vmem>>, %arg8: memref<3328x32xf32, #tpu.memory_space<vmem>>, %arg9: memref<4096xi32, #tpu.memory_space<vmem>>, %arg10: memref<16xi32, #tpu.memory_space<vmem>>, %arg11: memref<!tpu.dma_semaphore, #tpu.memory_space<semaphore_mem>>) attributes {dimension_semantics = [#tpu.dimension_semantics<core_parallel>, #tpu.dimension_semantics<subcore_parallel>], iteration_bounds = array<i64: 2, 16>, scalar_prefetch = 0 : i64, scratch_operands = 5 : i64, tpu.core_type = #tpu.core_type<sc_vector_subcore>, window_params = [{transform_indices = #map}, {transform_indices = #map1}, {transform_indices = #map1}, {transform_indices = #map}, {transform_indices = #map1}]} {
    %mul3A = arith.constant 2 : i32
    %mul3A_0 = arith.muli %arg1, %mul3A : i32
    %add3A = arith.addi %mul3A_0, %arg0 : i32
    %mul3A_1 = arith.constant 3328 : i32
    %mul3A_2 = arith.muli %add3A, %mul3A_1 : i32
    "tpu.region"() ({
      %run_scoped3A = tpu.sem_alloc : memref<!tpu.dma_semaphore, #tpu.memory_space<semaphore_mem>>
      %dma_start3A_221 = tpu.memref_slice %arg3[%mul3A_2] : memref<106496xi32, #tpu.memory_space<hbm>> -> memref<3328xi32, #tpu.memory_space<hbm>>
      %dma_start3A_222 = tpu.memref_slice %arg3[%mul3A_2] : memref<106496xi32, #tpu.memory_space<hbm>> -> memref<3328xi32, #tpu.memory_space<hbm>>
      tpu.enqueue_dma source(%dma_start3A_222 : memref<3328xi32, #tpu.memory_space<hbm>>) target(%arg7 : memref<3328xi32, #tpu.memory_space<vmem>>) target_semaphore(%run_scoped3A : memref<!tpu.dma_semaphore, #tpu.memory_space<semaphore_mem>>)
      %dma_wait3A_223 = tpu.memref_slice %arg3[%mul3A_2] : memref<106496xi32, #tpu.memory_space<hbm>> -> memref<3328xi32, #tpu.memory_space<hbm>>
      %dma_wait3A_224 = tpu.memref_slice %arg3[%mul3A_2] : memref<106496xi32, #tpu.memory_space<hbm>> -> memref<3328xi32, #tpu.memory_space<hbm>>
      tpu.wait_dma2 semaphore(%run_scoped3A : memref<!tpu.dma_semaphore, #tpu.memory_space<semaphore_mem>>) src(%dma_wait3A_224 : memref<3328xi32, #tpu.memory_space<hbm>>) dst(%arg7 : memref<3328xi32, #tpu.memory_space<vmem>>)
      tpu.yield
    }) : () -> ()
    %scan3A = arith.constant 0 : i32
    %scan3A_3 = arith.constant 0 : i32
    %scan3A_4 = arith.constant 208 : i32
    %scan3A_5 = arith.addi %scan3A_3, %scan3A_4 : i32
    %scan3A_6 = arith.constant 1 : i32
    %scan3A_7 = scf.for %scan3A_221 = %scan3A_3 to %scan3A_5 step %scan3A_6 iter_args(%scan3A_222 = %scan3A) -> (i32)  : i32 {
      %mul3A_223 = arith.constant 16 : i32
      %mul3A_224 = arith.muli %scan3A_221, %mul3A_223 : i32
      %get3A = arith.index_cast %mul3A_224 : i32 to index
      %get3A_225 = tpu.vector_load %arg7[%get3A] {strides = array<i32>} : memref<3328xi32, #tpu.memory_space<vmem>>, vector<16xi32>,
      %get3A_226 = vector.shape_cast %get3A_225 : vector<16xi32> to vector<16xi32>
      %sub3A = arith.constant 262144 : i32
      %sub3A_227 = vector.broadcast %sub3A : i32 to vector<16xi32>
      %sub3A_228 = arith.subi %get3A_226, %sub3A_227 : vector<16xi32>
      %shift_right_logical3A = arith.constant 31 : i32
      %shift_right_logical3A_229 = vector.broadcast %shift_right_logical3A : i32 to vector<16xi32>
      %shift_right_logical3A_230 = arith.shrui %sub3A_228, %shift_right_logical3A_229 : vector<16xi32>
      %sub3A_231 = arith.constant 524288 : i32
      %sub3A_232 = vector.broadcast %sub3A_231 : i32 to vector<16xi32>
      %sub3A_233 = arith.subi %get3A_226, %sub3A_232 : vector<16xi32>
      %shift_right_logical3A_234 = arith.constant 31 : i32
      %shift_right_logical3A_235 = vector.broadcast %shift_right_logical3A_234 : i32 to vector<16xi32>
      %shift_right_logical3A_236 = arith.shrui %sub3A_233, %shift_right_logical3A_235 : vector<16xi32>
      %add3A_237 = arith.addi %shift_right_logical3A_230, %shift_right_logical3A_236 : vector<16xi32>
      %sub3A_238 = arith.constant 786432 : i32
      %sub3A_239 = vector.broadcast %sub3A_238 : i32 to vector<16xi32>
      %sub3A_240 = arith.subi %get3A_226, %sub3A_239 : vector<16xi32>
      %shift_right_logical3A_241 = arith.constant 31 : i32
      %shift_right_logical3A_242 = vector.broadcast %shift_right_logical3A_241 : i32 to vector<16xi32>
      %shift_right_logical3A_243 = arith.shrui %sub3A_240, %shift_right_logical3A_242 : vector<16xi32>
      %add3A_244 = arith.addi %add3A_237, %shift_right_logical3A_243 : vector<16xi32>
      %sub3A_245 = arith.constant 3 : i32
      %sub3A_246 = vector.broadcast %sub3A_245 : i32 to vector<16xi32>
      %sub3A_247 = arith.subi %sub3A_246, %add3A_244 : vector<16xi32>
      %mul3A_248 = arith.constant 4 : i32
      %mul3A_249 = vector.broadcast %mul3A_248 : i32 to vector<16xi32>
      %mul3A_250 = arith.muli %get3A_226, %mul3A_249 : vector<16xi32>
      %mul3A_251 = arith.constant -1048575 : i32
      %mul3A_252 = vector.broadcast %mul3A_251 : i32 to vector<16xi32>
      %mul3A_253 = arith.muli %sub3A_247, %mul3A_252 : vector<16xi32>
      %add3A_254 = arith.addi %mul3A_250, %mul3A_253 : vector<16xi32>
      %mul3A_255 = arith.constant 16 : i32
      %mul3A_256 = arith.muli %scan3A_221, %mul3A_255 : i32
      %swap3A = arith.index_cast %mul3A_256 : i32 to index
      %swap3A_257 = tpu.vector_load %arg7[%swap3A] {strides = array<i32>} : memref<3328xi32, #tpu.memory_space<vmem>>, vector<16xi32>,
      %swap3A_258 = vector.shape_cast %swap3A_257 : vector<16xi32> to vector<16xi32>
      %swap3A_259 = vector.shape_cast %add3A_254 : vector<16xi32> to vector<16xi32>
      tpu.vector_store %arg7[%swap3A], %swap3A_259 {strides = array<i32>} : memref<3328xi32, #tpu.memory_space<vmem>>, vector<16xi32>,
      %scan3A_260 = arith.constant 0 : i32
      scf.yield %scan3A_260 : i32
    }
    %scan3A_8 = arith.constant 208 : i32
    %dma_start3A = arith.constant 0 : i32
    %dma_start3A_9 = arith.constant 0 : i32
    %dma_start3A_10 = tpu.memref_slice %arg8[%dma_start3A, %dma_start3A_9] : memref<3328x32xf32, #tpu.memory_space<vmem>> -> memref<128x32xf32, #tpu.memory_space<vmem>>
    %dma_start3A_11 = arith.constant 0 : i32
    %dma_start3A_12 = tpu.memref_slice %arg7[%dma_start3A_11] : memref<3328xi32, #tpu.memory_space<vmem>> -> memref<128xi32, #tpu.memory_space<vmem>>
    %dma_start3A_13 = arith.constant 0 : i32
    %dma_start3A_14 = arith.constant 0 : i32
    %dma_start3A_15 = tpu.memref_slice %arg2[%dma_start3A_13, %dma_start3A_14] : memref<1048576x32xf32, #tpu.memory_space<hbm>> -> memref<1048576x32xf32, #tpu.memory_space<hbm>>
    tpu.enqueue_indirect_dma source(%dma_start3A_15 : memref<1048576x32xf32, #tpu.memory_space<hbm>>) target(%dma_start3A_10 : memref<128x32xf32, #tpu.memory_space<vmem>>) offsets(%dma_start3A_12 : memref<128xi32, #tpu.memory_space<vmem>>) semaphore(%arg11 : memref<!tpu.dma_semaphore, #tpu.memory_space<semaphore_mem>>)
    %dma_start3A_16 = arith.constant 128 : i32
    %dma_start3A_17 = arith.constant 0 : i32
    %dma_start3A_18 = tpu.memref_slice %arg8[%dma_start3A_16, %dma_start3A_17] : memref<3328x32xf32, #tpu.memory_space<vmem>> -> memref<128x32xf32, #tpu.memory_space<vmem>>
    %dma_start3A_19 = arith.constant 128 : i32
    %dma_start3A_20 = tpu.memref_slice %arg7[%dma_start3A_19] : memref<3328xi32, #tpu.memory_space<vmem>> -> memref<128xi32, #tpu.memory_space<vmem>>
    %dma_start3A_21 = arith.constant 0 : i32
    %dma_start3A_22 = arith.constant 0 : i32
    %dma_start3A_23 = tpu.memref_slice %arg2[%dma_start3A_21, %dma_start3A_22] : memref<1048576x32xf32, #tpu.memory_space<hbm>> -> memref<1048576x32xf32, #tpu.memory_space<hbm>>
    tpu.enqueue_indirect_dma source(%dma_start3A_23 : memref<1048576x32xf32, #tpu.memory_space<hbm>>) target(%dma_start3A_18 : memref<128x32xf32, #tpu.memory_space<vmem>>) offsets(%dma_start3A_20 : memref<128xi32, #tpu.memory_space<vmem>>) semaphore(%arg11 : memref<!tpu.dma_semaphore, #tpu.memory_space<semaphore_mem>>)
    %dma_start3A_24 = arith.constant 256 : i32
    %dma_start3A_25 = arith.constant 0 : i32
    %dma_start3A_26 = tpu.memref_slice %arg8[%dma_start3A_24, %dma_start3A_25] : memref<3328x32xf32, #tpu.memory_space<vmem>> -> memref<128x32xf32, #tpu.memory_space<vmem>>
    %dma_start3A_27 = arith.constant 256 : i32
    %dma_start3A_28 = tpu.memref_slice %arg7[%dma_start3A_27] : memref<3328xi32, #tpu.memory_space<vmem>> -> memref<128xi32, #tpu.memory_space<vmem>>
    %dma_start3A_29 = arith.constant 0 : i32
    %dma_start3A_30 = arith.constant 0 : i32
    %dma_start3A_31 = tpu.memref_slice %arg2[%dma_start3A_29, %dma_start3A_30] : memref<1048576x32xf32, #tpu.memory_space<hbm>> -> memref<1048576x32xf32, #tpu.memory_space<hbm>>
    tpu.enqueue_indirect_dma source(%dma_start3A_31 : memref<1048576x32xf32, #tpu.memory_space<hbm>>) target(%dma_start3A_26 : memref<128x32xf32, #tpu.memory_space<vmem>>) offsets(%dma_start3A_28 : memref<128xi32, #tpu.memory_space<vmem>>) semaphore(%arg11 : memref<!tpu.dma_semaphore, #tpu.memory_space<semaphore_mem>>)
    %dma_start3A_32 = arith.constant 384 : i32
    %dma_start3A_33 = arith.constant 0 : i32
    %dma_start3A_34 = tpu.memref_slice %arg8[%dma_start3A_32, %dma_start3A_33] : memref<3328x32xf32, #tpu.memory_space<vmem>> -> memref<128x32xf32, #tpu.memory_space<vmem>>
    %dma_start3A_35 = arith.constant 384 : i32
    %dma_start3A_36 = tpu.memref_slice %arg7[%dma_start3A_35] : memref<3328xi32, #tpu.memory_space<vmem>> -> memref<128xi32, #tpu.memory_space<vmem>>
    %dma_start3A_37 = arith.constant 0 : i32
    %dma_start3A_38 = arith.constant 0 : i32
    %dma_start3A_39 = tpu.memref_slice %arg2[%dma_start3A_37, %dma_start3A_38] : memref<1048576x32xf32, #tpu.memory_space<hbm>> -> memref<1048576x32xf32, #tpu.memory_space<hbm>>
    tpu.enqueue_indirect_dma source(%dma_start3A_39 : memref<1048576x32xf32, #tpu.memory_space<hbm>>) target(%dma_start3A_34 : memref<128x32xf32, #tpu.memory_space<vmem>>) offsets(%dma_start3A_36 : memref<128xi32, #tpu.memory_space<vmem>>) semaphore(%arg11 : memref<!tpu.dma_semaphore, #tpu.memory_space<semaphore_mem>>)
    %dma_start3A_40 = arith.constant 512 : i32
    %dma_start3A_41 = arith.constant 0 : i32
    %dma_start3A_42 = tpu.memref_slice %arg8[%dma_start3A_40, %dma_start3A_41] : memref<3328x32xf32, #tpu.memory_space<vmem>> -> memref<128x32xf32, #tpu.memory_space<vmem>>
    %dma_start3A_43 = arith.constant 512 : i32
    %dma_start3A_44 = tpu.memref_slice %arg7[%dma_start3A_43] : memref<3328xi32, #tpu.memory_space<vmem>> -> memref<128xi32, #tpu.memory_space<vmem>>
    %dma_start3A_45 = arith.constant 0 : i32
    %dma_start3A_46 = arith.constant 0 : i32
    %dma_start3A_47 = tpu.memref_slice %arg2[%dma_start3A_45, %dma_start3A_46] : memref<1048576x32xf32, #tpu.memory_space<hbm>> -> memref<1048576x32xf32, #tpu.memory_space<hbm>>
    tpu.enqueue_indirect_dma source(%dma_start3A_47 : memref<1048576x32xf32, #tpu.memory_space<hbm>>) target(%dma_start3A_42 : memref<128x32xf32, #tpu.memory_space<vmem>>) offsets(%dma_start3A_44 : memref<128xi32, #tpu.memory_space<vmem>>) semaphore(%arg11 : memref<!tpu.dma_semaphore, #tpu.memory_space<semaphore_mem>>)
    %dma_start3A_48 = arith.constant 640 : i32
    %dma_start3A_49 = arith.constant 0 : i32
    %dma_start3A_50 = tpu.memref_slice %arg8[%dma_start3A_48, %dma_start3A_49] : memref<3328x32xf32, #tpu.memory_space<vmem>> -> memref<128x32xf32, #tpu.memory_space<vmem>>
    %dma_start3A_51 = arith.constant 640 : i32
    %dma_start3A_52 = tpu.memref_slice %arg7[%dma_start3A_51] : memref<3328xi32, #tpu.memory_space<vmem>> -> memref<128xi32, #tpu.memory_space<vmem>>
    %dma_start3A_53 = arith.constant 0 : i32
    %dma_start3A_54 = arith.constant 0 : i32
    %dma_start3A_55 = tpu.memref_slice %arg2[%dma_start3A_53, %dma_start3A_54] : memref<1048576x32xf32, #tpu.memory_space<hbm>> -> memref<1048576x32xf32, #tpu.memory_space<hbm>>
    tpu.enqueue_indirect_dma source(%dma_start3A_55 : memref<1048576x32xf32, #tpu.memory_space<hbm>>) target(%dma_start3A_50 : memref<128x32xf32, #tpu.memory_space<vmem>>) offsets(%dma_start3A_52 : memref<128xi32, #tpu.memory_space<vmem>>) semaphore(%arg11 : memref<!tpu.dma_semaphore, #tpu.memory_space<semaphore_mem>>)
    %dma_start3A_56 = arith.constant 768 : i32
    %dma_start3A_57 = arith.constant 0 : i32
    %dma_start3A_58 = tpu.memref_slice %arg8[%dma_start3A_56, %dma_start3A_57] : memref<3328x32xf32, #tpu.memory_space<vmem>> -> memref<128x32xf32, #tpu.memory_space<vmem>>
    %dma_start3A_59 = arith.constant 768 : i32
    %dma_start3A_60 = tpu.memref_slice %arg7[%dma_start3A_59] : memref<3328xi32, #tpu.memory_space<vmem>> -> memref<128xi32, #tpu.memory_space<vmem>>
    %dma_start3A_61 = arith.constant 0 : i32
    %dma_start3A_62 = arith.constant 0 : i32
    %dma_start3A_63 = tpu.memref_slice %arg2[%dma_start3A_61, %dma_start3A_62] : memref<1048576x32xf32, #tpu.memory_space<hbm>> -> memref<1048576x32xf32, #tpu.memory_space<hbm>>
    tpu.enqueue_indirect_dma source(%dma_start3A_63 : memref<1048576x32xf32, #tpu.memory_space<hbm>>) target(%dma_start3A_58 : memref<128x32xf32, #tpu.memory_space<vmem>>) offsets(%dma_start3A_60 : memref<128xi32, #tpu.memory_space<vmem>>) semaphore(%arg11 : memref<!tpu.dma_semaphore, #tpu.memory_space<semaphore_mem>>)
    %dma_start3A_64 = arith.constant 896 : i32
    %dma_start3A_65 = arith.constant 0 : i32
    %dma_start3A_66 = tpu.memref_slice %arg8[%dma_start3A_64, %dma_start3A_65] : memref<3328x32xf32, #tpu.memory_space<vmem>> -> memref<128x32xf32, #tpu.memory_space<vmem>>
    %dma_start3A_67 = arith.constant 896 : i32
    %dma_start3A_68 = tpu.memref_slice %arg7[%dma_start3A_67] : memref<3328xi32, #tpu.memory_space<vmem>> -> memref<128xi32, #tpu.memory_space<vmem>>
    %dma_start3A_69 = arith.constant 0 : i32
    %dma_start3A_70 = arith.constant 0 : i32
    %dma_start3A_71 = tpu.memref_slice %arg2[%dma_start3A_69, %dma_start3A_70] : memref<1048576x32xf32, #tpu.memory_space<hbm>> -> memref<1048576x32xf32, #tpu.memory_space<hbm>>
    tpu.enqueue_indirect_dma source(%dma_start3A_71 : memref<1048576x32xf32, #tpu.memory_space<hbm>>) target(%dma_start3A_66 : memref<128x32xf32, #tpu.memory_space<vmem>>) offsets(%dma_start3A_68 : memref<128xi32, #tpu.memory_space<vmem>>) semaphore(%arg11 : memref<!tpu.dma_semaphore, #tpu.memory_space<semaphore_mem>>)
    %dma_start3A_72 = arith.constant 1024 : i32
    %dma_start3A_73 = arith.constant 0 : i32
    %dma_start3A_74 = tpu.memref_slice %arg8[%dma_start3A_72, %dma_start3A_73] : memref<3328x32xf32, #tpu.memory_space<vmem>> -> memref<128x32xf32, #tpu.memory_space<vmem>>
    %dma_start3A_75 = arith.constant 1024 : i32
    %dma_start3A_76 = tpu.memref_slice %arg7[%dma_start3A_75] : memref<3328xi32, #tpu.memory_space<vmem>> -> memref<128xi32, #tpu.memory_space<vmem>>
    %dma_start3A_77 = arith.constant 0 : i32
    %dma_start3A_78 = arith.constant 0 : i32
    %dma_start3A_79 = tpu.memref_slice %arg2[%dma_start3A_77, %dma_start3A_78] : memref<1048576x32xf32, #tpu.memory_space<hbm>> -> memref<1048576x32xf32, #tpu.memory_space<hbm>>
    tpu.enqueue_indirect_dma source(%dma_start3A_79 : memref<1048576x32xf32, #tpu.memory_space<hbm>>) target(%dma_start3A_74 : memref<128x32xf32, #tpu.memory_space<vmem>>) offsets(%dma_start3A_76 : memref<128xi32, #tpu.memory_space<vmem>>) semaphore(%arg11 : memref<!tpu.dma_semaphore, #tpu.memory_space<semaphore_mem>>)
    %dma_start3A_80 = arith.constant 1152 : i32
    %dma_start3A_81 = arith.constant 0 : i32
    %dma_start3A_82 = tpu.memref_slice %arg8[%dma_start3A_80, %dma_start3A_81] : memref<3328x32xf32, #tpu.memory_space<vmem>> -> memref<128x32xf32, #tpu.memory_space<vmem>>
    %dma_start3A_83 = arith.constant 1152 : i32
    %dma_start3A_84 = tpu.memref_slice %arg7[%dma_start3A_83] : memref<3328xi32, #tpu.memory_space<vmem>> -> memref<128xi32, #tpu.memory_space<vmem>>
    %dma_start3A_85 = arith.constant 0 : i32
    %dma_start3A_86 = arith.constant 0 : i32
    %dma_start3A_87 = tpu.memref_slice %arg2[%dma_start3A_85, %dma_start3A_86] : memref<1048576x32xf32, #tpu.memory_space<hbm>> -> memref<1048576x32xf32, #tpu.memory_space<hbm>>
    tpu.enqueue_indirect_dma source(%dma_start3A_87 : memref<1048576x32xf32, #tpu.memory_space<hbm>>) target(%dma_start3A_82 : memref<128x32xf32, #tpu.memory_space<vmem>>) offsets(%dma_start3A_84 : memref<128xi32, #tpu.memory_space<vmem>>) semaphore(%arg11 : memref<!tpu.dma_semaphore, #tpu.memory_space<semaphore_mem>>)
    %dma_start3A_88 = arith.constant 1280 : i32
    %dma_start3A_89 = arith.constant 0 : i32
    %dma_start3A_90 = tpu.memref_slice %arg8[%dma_start3A_88, %dma_start3A_89] : memref<3328x32xf32, #tpu.memory_space<vmem>> -> memref<128x32xf32, #tpu.memory_space<vmem>>
    %dma_start3A_91 = arith.constant 1280 : i32
    %dma_start3A_92 = tpu.memref_slice %arg7[%dma_start3A_91] : memref<3328xi32, #tpu.memory_space<vmem>> -> memref<128xi32, #tpu.memory_space<vmem>>
    %dma_start3A_93 = arith.constant 0 : i32
    %dma_start3A_94 = arith.constant 0 : i32
    %dma_start3A_95 = tpu.memref_slice %arg2[%dma_start3A_93, %dma_start3A_94] : memref<1048576x32xf32, #tpu.memory_space<hbm>> -> memref<1048576x32xf32, #tpu.memory_space<hbm>>
    tpu.enqueue_indirect_dma source(%dma_start3A_95 : memref<1048576x32xf32, #tpu.memory_space<hbm>>) target(%dma_start3A_90 : memref<128x32xf32, #tpu.memory_space<vmem>>) offsets(%dma_start3A_92 : memref<128xi32, #tpu.memory_space<vmem>>) semaphore(%arg11 : memref<!tpu.dma_semaphore, #tpu.memory_space<semaphore_mem>>)
    %dma_start3A_96 = arith.constant 1408 : i32
    %dma_start3A_97 = arith.constant 0 : i32
    %dma_start3A_98 = tpu.memref_slice %arg8[%dma_start3A_96, %dma_start3A_97] : memref<3328x32xf32, #tpu.memory_space<vmem>> -> memref<128x32xf32, #tpu.memory_space<vmem>>
    %dma_start3A_99 = arith.constant 1408 : i32
    %dma_start3A_100 = tpu.memref_slice %arg7[%dma_start3A_99] : memref<3328xi32, #tpu.memory_space<vmem>> -> memref<128xi32, #tpu.memory_space<vmem>>
    %dma_start3A_101 = arith.constant 0 : i32
    %dma_start3A_102 = arith.constant 0 : i32
    %dma_start3A_103 = tpu.memref_slice %arg2[%dma_start3A_101, %dma_start3A_102] : memref<1048576x32xf32, #tpu.memory_space<hbm>> -> memref<1048576x32xf32, #tpu.memory_space<hbm>>
    tpu.enqueue_indirect_dma source(%dma_start3A_103 : memref<1048576x32xf32, #tpu.memory_space<hbm>>) target(%dma_start3A_98 : memref<128x32xf32, #tpu.memory_space<vmem>>) offsets(%dma_start3A_100 : memref<128xi32, #tpu.memory_space<vmem>>) semaphore(%arg11 : memref<!tpu.dma_semaphore, #tpu.memory_space<semaphore_mem>>)
    %dma_start3A_104 = arith.constant 1536 : i32
    %dma_start3A_105 = arith.constant 0 : i32
    %dma_start3A_106 = tpu.memref_slice %arg8[%dma_start3A_104, %dma_start3A_105] : memref<3328x32xf32, #tpu.memory_space<vmem>> -> memref<128x32xf32, #tpu.memory_space<vmem>>
    %dma_start3A_107 = arith.constant 1536 : i32
    %dma_start3A_108 = tpu.memref_slice %arg7[%dma_start3A_107] : memref<3328xi32, #tpu.memory_space<vmem>> -> memref<128xi32, #tpu.memory_space<vmem>>
    %dma_start3A_109 = arith.constant 0 : i32
    %dma_start3A_110 = arith.constant 0 : i32
    %dma_start3A_111 = tpu.memref_slice %arg2[%dma_start3A_109, %dma_start3A_110] : memref<1048576x32xf32, #tpu.memory_space<hbm>> -> memref<1048576x32xf32, #tpu.memory_space<hbm>>
    tpu.enqueue_indirect_dma source(%dma_start3A_111 : memref<1048576x32xf32, #tpu.memory_space<hbm>>) target(%dma_start3A_106 : memref<128x32xf32, #tpu.memory_space<vmem>>) offsets(%dma_start3A_108 : memref<128xi32, #tpu.memory_space<vmem>>) semaphore(%arg11 : memref<!tpu.dma_semaphore, #tpu.memory_space<semaphore_mem>>)
    %dma_start3A_112 = arith.constant 1664 : i32
    %dma_start3A_113 = arith.constant 0 : i32
    %dma_start3A_114 = tpu.memref_slice %arg8[%dma_start3A_112, %dma_start3A_113] : memref<3328x32xf32, #tpu.memory_space<vmem>> -> memref<128x32xf32, #tpu.memory_space<vmem>>
    %dma_start3A_115 = arith.constant 1664 : i32
    %dma_start3A_116 = tpu.memref_slice %arg7[%dma_start3A_115] : memref<3328xi32, #tpu.memory_space<vmem>> -> memref<128xi32, #tpu.memory_space<vmem>>
    %dma_start3A_117 = arith.constant 0 : i32
    %dma_start3A_118 = arith.constant 0 : i32
    %dma_start3A_119 = tpu.memref_slice %arg2[%dma_start3A_117, %dma_start3A_118] : memref<1048576x32xf32, #tpu.memory_space<hbm>> -> memref<1048576x32xf32, #tpu.memory_space<hbm>>
    tpu.enqueue_indirect_dma source(%dma_start3A_119 : memref<1048576x32xf32, #tpu.memory_space<hbm>>) target(%dma_start3A_114 : memref<128x32xf32, #tpu.memory_space<vmem>>) offsets(%dma_start3A_116 : memref<128xi32, #tpu.memory_space<vmem>>) semaphore(%arg11 : memref<!tpu.dma_semaphore, #tpu.memory_space<semaphore_mem>>)
    %dma_start3A_120 = arith.constant 1792 : i32
    %dma_start3A_121 = arith.constant 0 : i32
    %dma_start3A_122 = tpu.memref_slice %arg8[%dma_start3A_120, %dma_start3A_121] : memref<3328x32xf32, #tpu.memory_space<vmem>> -> memref<128x32xf32, #tpu.memory_space<vmem>>
    %dma_start3A_123 = arith.constant 1792 : i32
    %dma_start3A_124 = tpu.memref_slice %arg7[%dma_start3A_123] : memref<3328xi32, #tpu.memory_space<vmem>> -> memref<128xi32, #tpu.memory_space<vmem>>
    %dma_start3A_125 = arith.constant 0 : i32
    %dma_start3A_126 = arith.constant 0 : i32
    %dma_start3A_127 = tpu.memref_slice %arg2[%dma_start3A_125, %dma_start3A_126] : memref<1048576x32xf32, #tpu.memory_space<hbm>> -> memref<1048576x32xf32, #tpu.memory_space<hbm>>
    tpu.enqueue_indirect_dma source(%dma_start3A_127 : memref<1048576x32xf32, #tpu.memory_space<hbm>>) target(%dma_start3A_122 : memref<128x32xf32, #tpu.memory_space<vmem>>) offsets(%dma_start3A_124 : memref<128xi32, #tpu.memory_space<vmem>>) semaphore(%arg11 : memref<!tpu.dma_semaphore, #tpu.memory_space<semaphore_mem>>)
    %dma_start3A_128 = arith.constant 1920 : i32
    %dma_start3A_129 = arith.constant 0 : i32
    %dma_start3A_130 = tpu.memref_slice %arg8[%dma_start3A_128, %dma_start3A_129] : memref<3328x32xf32, #tpu.memory_space<vmem>> -> memref<128x32xf32, #tpu.memory_space<vmem>>
    %dma_start3A_131 = arith.constant 1920 : i32
    %dma_start3A_132 = tpu.memref_slice %arg7[%dma_start3A_131] : memref<3328xi32, #tpu.memory_space<vmem>> -> memref<128xi32, #tpu.memory_space<vmem>>
    %dma_start3A_133 = arith.constant 0 : i32
    %dma_start3A_134 = arith.constant 0 : i32
    %dma_start3A_135 = tpu.memref_slice %arg2[%dma_start3A_133, %dma_start3A_134] : memref<1048576x32xf32, #tpu.memory_space<hbm>> -> memref<1048576x32xf32, #tpu.memory_space<hbm>>
    tpu.enqueue_indirect_dma source(%dma_start3A_135 : memref<1048576x32xf32, #tpu.memory_space<hbm>>) target(%dma_start3A_130 : memref<128x32xf32, #tpu.memory_space<vmem>>) offsets(%dma_start3A_132 : memref<128xi32, #tpu.memory_space<vmem>>) semaphore(%arg11 : memref<!tpu.dma_semaphore, #tpu.memory_space<semaphore_mem>>)
    %dma_start3A_136 = arith.constant 2048 : i32
    %dma_start3A_137 = arith.constant 0 : i32
    %dma_start3A_138 = tpu.memref_slice %arg8[%dma_start3A_136, %dma_start3A_137] : memref<3328x32xf32, #tpu.memory_space<vmem>> -> memref<128x32xf32, #tpu.memory_space<vmem>>
    %dma_start3A_139 = arith.constant 2048 : i32
    %dma_start3A_140 = tpu.memref_slice %arg7[%dma_start3A_139] : memref<3328xi32, #tpu.memory_space<vmem>> -> memref<128xi32, #tpu.memory_space<vmem>>
    %dma_start3A_141 = arith.constant 0 : i32
    %dma_start3A_142 = arith.constant 0 : i32
    %dma_start3A_143 = tpu.memref_slice %arg2[%dma_start3A_141, %dma_start3A_142] : memref<1048576x32xf32, #tpu.memory_space<hbm>> -> memref<1048576x32xf32, #tpu.memory_space<hbm>>
    tpu.enqueue_indirect_dma source(%dma_start3A_143 : memref<1048576x32xf32, #tpu.memory_space<hbm>>) target(%dma_start3A_138 : memref<128x32xf32, #tpu.memory_space<vmem>>) offsets(%dma_start3A_140 : memref<128xi32, #tpu.memory_space<vmem>>) semaphore(%arg11 : memref<!tpu.dma_semaphore, #tpu.memory_space<semaphore_mem>>)
    %dma_start3A_144 = arith.constant 2176 : i32
    %dma_start3A_145 = arith.constant 0 : i32
    %dma_start3A_146 = tpu.memref_slice %arg8[%dma_start3A_144, %dma_start3A_145] : memref<3328x32xf32, #tpu.memory_space<vmem>> -> memref<128x32xf32, #tpu.memory_space<vmem>>
    %dma_start3A_147 = arith.constant 2176 : i32
    %dma_start3A_148 = tpu.memref_slice %arg7[%dma_start3A_147] : memref<3328xi32, #tpu.memory_space<vmem>> -> memref<128xi32, #tpu.memory_space<vmem>>
    %dma_start3A_149 = arith.constant 0 : i32
    %dma_start3A_150 = arith.constant 0 : i32
    %dma_start3A_151 = tpu.memref_slice %arg2[%dma_start3A_149, %dma_start3A_150] : memref<1048576x32xf32, #tpu.memory_space<hbm>> -> memref<1048576x32xf32, #tpu.memory_space<hbm>>
    tpu.enqueue_indirect_dma source(%dma_start3A_151 : memref<1048576x32xf32, #tpu.memory_space<hbm>>) target(%dma_start3A_146 : memref<128x32xf32, #tpu.memory_space<vmem>>) offsets(%dma_start3A_148 : memref<128xi32, #tpu.memory_space<vmem>>) semaphore(%arg11 : memref<!tpu.dma_semaphore, #tpu.memory_space<semaphore_mem>>)
    %dma_start3A_152 = arith.constant 2304 : i32
    %dma_start3A_153 = arith.constant 0 : i32
    %dma_start3A_154 = tpu.memref_slice %arg8[%dma_start3A_152, %dma_start3A_153] : memref<3328x32xf32, #tpu.memory_space<vmem>> -> memref<128x32xf32, #tpu.memory_space<vmem>>
    %dma_start3A_155 = arith.constant 2304 : i32
    %dma_start3A_156 = tpu.memref_slice %arg7[%dma_start3A_155] : memref<3328xi32, #tpu.memory_space<vmem>> -> memref<128xi32, #tpu.memory_space<vmem>>
    %dma_start3A_157 = arith.constant 0 : i32
    %dma_start3A_158 = arith.constant 0 : i32
    %dma_start3A_159 = tpu.memref_slice %arg2[%dma_start3A_157, %dma_start3A_158] : memref<1048576x32xf32, #tpu.memory_space<hbm>> -> memref<1048576x32xf32, #tpu.memory_space<hbm>>
    tpu.enqueue_indirect_dma source(%dma_start3A_159 : memref<1048576x32xf32, #tpu.memory_space<hbm>>) target(%dma_start3A_154 : memref<128x32xf32, #tpu.memory_space<vmem>>) offsets(%dma_start3A_156 : memref<128xi32, #tpu.memory_space<vmem>>) semaphore(%arg11 : memref<!tpu.dma_semaphore, #tpu.memory_space<semaphore_mem>>)
    %dma_start3A_160 = arith.constant 2432 : i32
    %dma_start3A_161 = arith.constant 0 : i32
    %dma_start3A_162 = tpu.memref_slice %arg8[%dma_start3A_160, %dma_start3A_161] : memref<3328x32xf32, #tpu.memory_space<vmem>> -> memref<128x32xf32, #tpu.memory_space<vmem>>
    %dma_start3A_163 = arith.constant 2432 : i32
    %dma_start3A_164 = tpu.memref_slice %arg7[%dma_start3A_163] : memref<3328xi32, #tpu.memory_space<vmem>> -> memref<128xi32, #tpu.memory_space<vmem>>
    %dma_start3A_165 = arith.constant 0 : i32
    %dma_start3A_166 = arith.constant 0 : i32
    %dma_start3A_167 = tpu.memref_slice %arg2[%dma_start3A_165, %dma_start3A_166] : memref<1048576x32xf32, #tpu.memory_space<hbm>> -> memref<1048576x32xf32, #tpu.memory_space<hbm>>
    tpu.enqueue_indirect_dma source(%dma_start3A_167 : memref<1048576x32xf32, #tpu.memory_space<hbm>>) target(%dma_start3A_162 : memref<128x32xf32, #tpu.memory_space<vmem>>) offsets(%dma_start3A_164 : memref<128xi32, #tpu.memory_space<vmem>>) semaphore(%arg11 : memref<!tpu.dma_semaphore, #tpu.memory_space<semaphore_mem>>)
    %dma_start3A_168 = arith.constant 2560 : i32
    %dma_start3A_169 = arith.constant 0 : i32
    %dma_start3A_170 = tpu.memref_slice %arg8[%dma_start3A_168, %dma_start3A_169] : memref<3328x32xf32, #tpu.memory_space<vmem>> -> memref<128x32xf32, #tpu.memory_space<vmem>>
    %dma_start3A_171 = arith.constant 2560 : i32
    %dma_start3A_172 = tpu.memref_slice %arg7[%dma_start3A_171] : memref<3328xi32, #tpu.memory_space<vmem>> -> memref<128xi32, #tpu.memory_space<vmem>>
    %dma_start3A_173 = arith.constant 0 : i32
    %dma_start3A_174 = arith.constant 0 : i32
    %dma_start3A_175 = tpu.memref_slice %arg2[%dma_start3A_173, %dma_start3A_174] : memref<1048576x32xf32, #tpu.memory_space<hbm>> -> memref<1048576x32xf32, #tpu.memory_space<hbm>>
    tpu.enqueue_indirect_dma source(%dma_start3A_175 : memref<1048576x32xf32, #tpu.memory_space<hbm>>) target(%dma_start3A_170 : memref<128x32xf32, #tpu.memory_space<vmem>>) offsets(%dma_start3A_172 : memref<128xi32, #tpu.memory_space<vmem>>) semaphore(%arg11 : memref<!tpu.dma_semaphore, #tpu.memory_space<semaphore_mem>>)
    %dma_start3A_176 = arith.constant 2688 : i32
    %dma_start3A_177 = arith.constant 0 : i32
    %dma_start3A_178 = tpu.memref_slice %arg8[%dma_start3A_176, %dma_start3A_177] : memref<3328x32xf32, #tpu.memory_space<vmem>> -> memref<128x32xf32, #tpu.memory_space<vmem>>
    %dma_start3A_179 = arith.constant 2688 : i32
    %dma_start3A_180 = tpu.memref_slice %arg7[%dma_start3A_179] : memref<3328xi32, #tpu.memory_space<vmem>> -> memref<128xi32, #tpu.memory_space<vmem>>
    %dma_start3A_181 = arith.constant 0 : i32
    %dma_start3A_182 = arith.constant 0 : i32
    %dma_start3A_183 = tpu.memref_slice %arg2[%dma_start3A_181, %dma_start3A_182] : memref<1048576x32xf32, #tpu.memory_space<hbm>> -> memref<1048576x32xf32, #tpu.memory_space<hbm>>
    tpu.enqueue_indirect_dma source(%dma_start3A_183 : memref<1048576x32xf32, #tpu.memory_space<hbm>>) target(%dma_start3A_178 : memref<128x32xf32, #tpu.memory_space<vmem>>) offsets(%dma_start3A_180 : memref<128xi32, #tpu.memory_space<vmem>>) semaphore(%arg11 : memref<!tpu.dma_semaphore, #tpu.memory_space<semaphore_mem>>)
    %dma_start3A_184 = arith.constant 2816 : i32
    %dma_start3A_185 = arith.constant 0 : i32
    %dma_start3A_186 = tpu.memref_slice %arg8[%dma_start3A_184, %dma_start3A_185] : memref<3328x32xf32, #tpu.memory_space<vmem>> -> memref<128x32xf32, #tpu.memory_space<vmem>>
    %dma_start3A_187 = arith.constant 2816 : i32
    %dma_start3A_188 = tpu.memref_slice %arg7[%dma_start3A_187] : memref<3328xi32, #tpu.memory_space<vmem>> -> memref<128xi32, #tpu.memory_space<vmem>>
    %dma_start3A_189 = arith.constant 0 : i32
    %dma_start3A_190 = arith.constant 0 : i32
    %dma_start3A_191 = tpu.memref_slice %arg2[%dma_start3A_189, %dma_start3A_190] : memref<1048576x32xf32, #tpu.memory_space<hbm>> -> memref<1048576x32xf32, #tpu.memory_space<hbm>>
    tpu.enqueue_indirect_dma source(%dma_start3A_191 : memref<1048576x32xf32, #tpu.memory_space<hbm>>) target(%dma_start3A_186 : memref<128x32xf32, #tpu.memory_space<vmem>>) offsets(%dma_start3A_188 : memref<128xi32, #tpu.memory_space<vmem>>) semaphore(%arg11 : memref<!tpu.dma_semaphore, #tpu.memory_space<semaphore_mem>>)
    %dma_start3A_192 = arith.constant 2944 : i32
    %dma_start3A_193 = arith.constant 0 : i32
    %dma_start3A_194 = tpu.memref_slice %arg8[%dma_start3A_192, %dma_start3A_193] : memref<3328x32xf32, #tpu.memory_space<vmem>> -> memref<128x32xf32, #tpu.memory_space<vmem>>
    %dma_start3A_195 = arith.constant 2944 : i32
    %dma_start3A_196 = tpu.memref_slice %arg7[%dma_start3A_195] : memref<3328xi32, #tpu.memory_space<vmem>> -> memref<128xi32, #tpu.memory_space<vmem>>
    %dma_start3A_197 = arith.constant 0 : i32
    %dma_start3A_198 = arith.constant 0 : i32
    %dma_start3A_199 = tpu.memref_slice %arg2[%dma_start3A_197, %dma_start3A_198] : memref<1048576x32xf32, #tpu.memory_space<hbm>> -> memref<1048576x32xf32, #tpu.memory_space<hbm>>
    tpu.enqueue_indirect_dma source(%dma_start3A_199 : memref<1048576x32xf32, #tpu.memory_space<hbm>>) target(%dma_start3A_194 : memref<128x32xf32, #tpu.memory_space<vmem>>) offsets(%dma_start3A_196 : memref<128xi32, #tpu.memory_space<vmem>>) semaphore(%arg11 : memref<!tpu.dma_semaphore, #tpu.memory_space<semaphore_mem>>)
    %dma_start3A_200 = arith.constant 3072 : i32
    %dma_start3A_201 = arith.constant 0 : i32
    %dma_start3A_202 = tpu.memref_slice %arg8[%dma_start3A_200, %dma_start3A_201] : memref<3328x32xf32, #tpu.memory_space<vmem>> -> memref<128x32xf32, #tpu.memory_space<vmem>>
    %dma_start3A_203 = arith.constant 3072 : i32
    %dma_start3A_204 = tpu.memref_slice %arg7[%dma_start3A_203] : memref<3328xi32, #tpu.memory_space<vmem>> -> memref<128xi32, #tpu.memory_space<vmem>>
    %dma_start3A_205 = arith.constant 0 : i32
    %dma_start3A_206 = arith.constant 0 : i32
    %dma_start3A_207 = tpu.memref_slice %arg2[%dma_start3A_205, %dma_start3A_206] : memref<1048576x32xf32, #tpu.memory_space<hbm>> -> memref<1048576x32xf32, #tpu.memory_space<hbm>>
    tpu.enqueue_indirect_dma source(%dma_start3A_207 : memref<1048576x32xf32, #tpu.memory_space<hbm>>) target(%dma_start3A_202 : memref<128x32xf32, #tpu.memory_space<vmem>>) offsets(%dma_start3A_204 : memref<128xi32, #tpu.memory_space<vmem>>) semaphore(%arg11 : memref<!tpu.dma_semaphore, #tpu.memory_space<semaphore_mem>>)
    %dma_start3A_208 = arith.constant 3200 : i32
    %dma_start3A_209 = arith.constant 0 : i32
    %dma_start3A_210 = tpu.memref_slice %arg8[%dma_start3A_208, %dma_start3A_209] : memref<3328x32xf32, #tpu.memory_space<vmem>> -> memref<128x32xf32, #tpu.memory_space<vmem>>
    %dma_start3A_211 = arith.constant 3200 : i32
    %dma_start3A_212 = tpu.memref_slice %arg7[%dma_start3A_211] : memref<3328xi32, #tpu.memory_space<vmem>> -> memref<128xi32, #tpu.memory_space<vmem>>
    %dma_start3A_213 = arith.constant 0 : i32
    %dma_start3A_214 = arith.constant 0 : i32
    %dma_start3A_215 = tpu.memref_slice %arg2[%dma_start3A_213, %dma_start3A_214] : memref<1048576x32xf32, #tpu.memory_space<hbm>> -> memref<1048576x32xf32, #tpu.memory_space<hbm>>
    tpu.enqueue_indirect_dma source(%dma_start3A_215 : memref<1048576x32xf32, #tpu.memory_space<hbm>>) target(%dma_start3A_210 : memref<128x32xf32, #tpu.memory_space<vmem>>) offsets(%dma_start3A_212 : memref<128xi32, #tpu.memory_space<vmem>>) semaphore(%arg11 : memref<!tpu.dma_semaphore, #tpu.memory_space<semaphore_mem>>)
    %lt3A = arith.constant 26 : i32
    %lt3A_216 = arith.cmpi slt, %add3A, %lt3A : i32
    %convert_element_type3A = arith.extui %lt3A_216 : i1 to i32
    %cond3A = arith.constant 0 : i32
    %cond3A_217 = arith.cmpi ne, %convert_element_type3A, %cond3A : i32
    scf.if %cond3A_217 {
      %mul3A_221 = arith.constant 4096 : i32
      %mul3A_222 = arith.muli %add3A, %mul3A_221 : i32
      "tpu.region"() ({
        %run_scoped3A = tpu.sem_alloc : memref<!tpu.dma_semaphore, #tpu.memory_space<semaphore_mem>>
        %dma_start3A_235 = tpu.memref_slice %arg4[%mul3A_222] : memref<106496xi32, #tpu.memory_space<hbm>> -> memref<4096xi32, #tpu.memory_space<hbm>>
        %dma_start3A_236 = tpu.memref_slice %arg4[%mul3A_222] : memref<106496xi32, #tpu.memory_space<hbm>> -> memref<4096xi32, #tpu.memory_space<hbm>>
        tpu.enqueue_dma source(%dma_start3A_236 : memref<4096xi32, #tpu.memory_space<hbm>>) target(%arg9 : memref<4096xi32, #tpu.memory_space<vmem>>) target_semaphore(%run_scoped3A : memref<!tpu.dma_semaphore, #tpu.memory_space<semaphore_mem>>)
        %dma_wait3A_237 = tpu.memref_slice %arg4[%mul3A_222] : memref<106496xi32, #tpu.memory_space<hbm>> -> memref<4096xi32, #tpu.memory_space<hbm>>
        %dma_wait3A_238 = tpu.memref_slice %arg4[%mul3A_222] : memref<106496xi32, #tpu.memory_space<hbm>> -> memref<4096xi32, #tpu.memory_space<hbm>>
        tpu.wait_dma2 semaphore(%run_scoped3A : memref<!tpu.dma_semaphore, #tpu.memory_space<semaphore_mem>>) src(%dma_wait3A_238 : memref<4096xi32, #tpu.memory_space<hbm>>) dst(%arg9 : memref<4096xi32, #tpu.memory_space<vmem>>)
        tpu.yield
      }) : () -> ()
      %broadcast_in_dim3A = arith.constant 0 : i32
      %broadcast_in_dim3A_223 = vector.broadcast %broadcast_in_dim3A : i32 to vector<16xi32>
      %scan3A_224 = arith.constant 0 : i32
      %scan3A_225 = arith.constant 256 : i32
      %scan3A_226 = arith.addi %scan3A_224, %scan3A_225 : i32
      %scan3A_227 = arith.constant 1 : i32
      %scan3A_228 = scf.for %scan3A_235 = %scan3A_224 to %scan3A_226 step %scan3A_227 iter_args(%scan3A_236 = %broadcast_in_dim3A_223) -> (vector<16xi32>)  : i32 {
        %mul3A_237 = arith.constant 16 : i32
        %mul3A_238 = arith.muli %scan3A_235, %mul3A_237 : i32
        %get3A = arith.index_cast %mul3A_238 : i32 to index
        %get3A_239 = tpu.vector_load %arg9[%get3A] {strides = array<i32>} : memref<4096xi32, #tpu.memory_space<vmem>>, vector<16xi32>,
        %get3A_240 = vector.shape_cast %get3A_239 : vector<16xi32> to vector<16xi32>
        %add3A_241 = arith.addi %scan3A_236, %get3A_240 : vector<16xi32>
        scf.yield %add3A_241 : vector<16xi32>
      }
      %scan3A_229 = arith.constant 256 : i32
      %swap3A = arith.constant 0 : index
      %swap3A_230 = tpu.vector_load %arg10[%swap3A] {strides = array<i32>} : memref<16xi32, #tpu.memory_space<vmem>>, vector<16xi32>,
      %swap3A_231 = vector.shape_cast %swap3A_230 : vector<16xi32> to vector<16xi32>
      %swap3A_232 = vector.shape_cast %scan3A_228 : vector<16xi32> to vector<16xi32>
      tpu.vector_store %arg10[%swap3A], %swap3A_232 {strides = array<i32>} : memref<16xi32, #tpu.memory_space<vmem>>, vector<16xi32>,
      %mul3A_233 = arith.constant 16 : i32
      %mul3A_234 = arith.muli %add3A, %mul3A_233 : i32
      "tpu.region"() ({
        %run_scoped3A = tpu.sem_alloc : memref<!tpu.dma_semaphore, #tpu.memory_space<semaphore_mem>>
        %dma_start3A_235 = tpu.memref_slice %arg6[%mul3A_234] : memref<416xi32, #tpu.memory_space<hbm>> -> memref<16xi32, #tpu.memory_space<hbm>>
        %dma_start3A_236 = tpu.memref_slice %arg6[%mul3A_234] : memref<416xi32, #tpu.memory_space<hbm>> -> memref<16xi32, #tpu.memory_space<hbm>>
        tpu.enqueue_dma source(%arg10 : memref<16xi32, #tpu.memory_space<vmem>>) target(%dma_start3A_236 : memref<16xi32, #tpu.memory_space<hbm>>) target_semaphore(%run_scoped3A : memref<!tpu.dma_semaphore, #tpu.memory_space<semaphore_mem>>)
        %dma_wait3A_237 = tpu.memref_slice %arg6[%mul3A_234] : memref<416xi32, #tpu.memory_space<hbm>> -> memref<16xi32, #tpu.memory_space<hbm>>
        %dma_wait3A_238 = tpu.memref_slice %arg6[%mul3A_234] : memref<416xi32, #tpu.memory_space<hbm>> -> memref<16xi32, #tpu.memory_space<hbm>>
        tpu.wait_dma2 semaphore(%run_scoped3A : memref<!tpu.dma_semaphore, #tpu.memory_space<semaphore_mem>>) src(%arg10 : memref<16xi32, #tpu.memory_space<vmem>>) dst(%dma_wait3A_238 : memref<16xi32, #tpu.memory_space<hbm>>)
        tpu.yield
      }) : () -> ()
    } else {
    }
    %dma_wait3A = arith.constant 0 : i32
    %dma_wait3A_218 = tpu.memref_slice %arg5[%mul3A_2, %dma_wait3A] : memref<106496x32xf32, #tpu.memory_space<hbm>> -> memref<3328x32xf32, #tpu.memory_space<hbm>>
    %dma_wait3A_219 = arith.constant 0 : i32
    %dma_wait3A_220 = tpu.memref_slice %arg5[%mul3A_2, %dma_wait3A_219] : memref<106496x32xf32, #tpu.memory_space<hbm>> -> memref<3328x32xf32, #tpu.memory_space<hbm>>
    tpu.wait_dma2 semaphore(%arg11 : memref<!tpu.dma_semaphore, #tpu.memory_space<semaphore_mem>>) src(%dma_wait3A_220 : memref<3328x32xf32, #tpu.memory_space<hbm>>) dst(%arg8 : memref<3328x32xf32, #tpu.memory_space<vmem>>)
    "tpu.region"() ({
      %run_scoped3A = tpu.sem_alloc : memref<!tpu.dma_semaphore, #tpu.memory_space<semaphore_mem>>
      %dma_start3A_221 = arith.constant 0 : i32
      %dma_start3A_222 = tpu.memref_slice %arg5[%mul3A_2, %dma_start3A_221] : memref<106496x32xf32, #tpu.memory_space<hbm>> -> memref<3328x32xf32, #tpu.memory_space<hbm>>
      %dma_start3A_223 = arith.constant 0 : i32
      %dma_start3A_224 = tpu.memref_slice %arg5[%mul3A_2, %dma_start3A_223] : memref<106496x32xf32, #tpu.memory_space<hbm>> -> memref<3328x32xf32, #tpu.memory_space<hbm>>
      tpu.enqueue_dma source(%arg8 : memref<3328x32xf32, #tpu.memory_space<vmem>>) target(%dma_start3A_224 : memref<3328x32xf32, #tpu.memory_space<hbm>>) target_semaphore(%run_scoped3A : memref<!tpu.dma_semaphore, #tpu.memory_space<semaphore_mem>>)
      %dma_wait3A_225 = arith.constant 0 : i32
      %dma_wait3A_226 = tpu.memref_slice %arg5[%mul3A_2, %dma_wait3A_225] : memref<106496x32xf32, #tpu.memory_space<hbm>> -> memref<3328x32xf32, #tpu.memory_space<hbm>>
      %dma_wait3A_227 = arith.constant 0 : i32
      %dma_wait3A_228 = tpu.memref_slice %arg5[%mul3A_2, %dma_wait3A_227] : memref<106496x32xf32, #tpu.memory_space<hbm>> -> memref<3328x32xf32, #tpu.memory_space<hbm>>
      tpu.wait_dma2 semaphore(%run_scoped3A : memref<!tpu.dma_semaphore, #tpu.memory_space<semaphore_mem>>) src(%arg8 : memref<3328x32xf32, #tpu.memory_space<vmem>>) dst(%dma_wait3A_228 : memref<3328x32xf32, #tpu.memory_space<hbm>>)
      tpu.yield
    }) : () -> ()
    return
  }
}

module attributes {stable_mosaic.version = 14 : i64} {
  func.func @tbody(%arg0: i32, %arg1: memref<32x16384xf32, #tpu.memory_space<vmem>>, %arg2: memref<32x16384xf32, #tpu.memory_space<vmem>>, %arg3: memref<32x16384xf32, #tpu.memory_space<vmem>>, %arg4: memref<32x16384xf32, #tpu.memory_space<vmem>>, %arg5: memref<16384x128xf32, #tpu.memory_space<vmem>>) attributes {dimension_semantics = [#tpu.dimension_semantics<arbitrary>], iteration_bounds = array<i64: 16>, scalar_prefetch = 0 : i64, scratch_operands = 0 : i64, tpu.core_type = #tpu.core_type<tc>, window_params = [{transform_indices = @transform_0, window_bounds = array<i64: 32, 16384>}, {transform_indices = @transform_1, window_bounds = array<i64: 32, 16384>}, {transform_indices = @transform_2, window_bounds = array<i64: 32, 16384>}, {transform_indices = @transform_3, window_bounds = array<i64: 32, 16384>}, {transform_indices = @transform_4, window_bounds = array<i64: 16384, 128>}]} {
    %get3A = arith.constant 0 : index
    %get3A_0 = arith.constant 0 : index
    %get3A_1 = vector.load %arg1[%get3A, %get3A_0] : memref<32x16384xf32, #tpu.memory_space<vmem>>, vector<32x16384xf32>
    %get3A_2 = arith.constant 0 : index
    %get3A_3 = arith.constant 0 : index
    %get3A_4 = vector.load %arg2[%get3A_2, %get3A_3] : memref<32x16384xf32, #tpu.memory_space<vmem>>, vector<32x16384xf32>
    %get3A_5 = arith.constant 0 : index
    %get3A_6 = arith.constant 0 : index
    %get3A_7 = vector.load %arg3[%get3A_5, %get3A_6] : memref<32x16384xf32, #tpu.memory_space<vmem>>, vector<32x16384xf32>
    %get3A_8 = arith.constant 0 : index
    %get3A_9 = arith.constant 0 : index
    %get3A_10 = vector.load %arg4[%get3A_8, %get3A_9] : memref<32x16384xf32, #tpu.memory_space<vmem>>, vector<32x16384xf32>
    %concatenate3A = tpu.concatenate %get3A_1, %get3A_4, %get3A_7, %get3A_10 in 0 : vector<32x16384xf32>, vector<32x16384xf32>, vector<32x16384xf32>, vector<32x16384xf32> -> vector<128x16384xf32>
    %transpose3A = tpu.transpose %concatenate3A, [1, 0] : vector<128x16384xf32> -> vector<16384x128xf32>
    %swap3A = arith.constant 0 : index
    %swap3A_11 = arith.constant 0 : index
    %swap3A_12 = vector.load %arg5[%swap3A, %swap3A_11] : memref<16384x128xf32, #tpu.memory_space<vmem>>, vector<16384x128xf32>
    tpu.vector_store %arg5[%swap3A, %swap3A_11], %transpose3A {strides = array<i32>} : memref<16384x128xf32, #tpu.memory_space<vmem>>, vector<16384x128xf32>,
    return
  }
  func.func @transform_0(%arg0: i32) -> (i32, i32) {
    %add3A = arith.constant 0 : i32
    %add3A_0 = arith.addi %add3A, %arg0 : i32
    %min3A = arith.constant 61 : i32
    %min3A_1 = arith.minsi %add3A_0, %min3A : i32
    %c0_i32 = arith.constant 0 : i32
    %c0_i32_2 = arith.constant 0 : i32
    return %c0_i32, %min3A_1 : i32, i32
  }
  func.func @transform_1(%arg0: i32) -> (i32, i32) {
    %add3A = arith.constant 16 : i32
    %add3A_0 = arith.addi %add3A, %arg0 : i32
    %min3A = arith.constant 61 : i32
    %min3A_1 = arith.minsi %add3A_0, %min3A : i32
    %c0_i32 = arith.constant 0 : i32
    %c0_i32_2 = arith.constant 0 : i32
    return %c0_i32, %min3A_1 : i32, i32
  }
  func.func @transform_2(%arg0: i32) -> (i32, i32) {
    %add3A = arith.constant 32 : i32
    %add3A_0 = arith.addi %add3A, %arg0 : i32
    %min3A = arith.constant 61 : i32
    %min3A_1 = arith.minsi %add3A_0, %min3A : i32
    %c0_i32 = arith.constant 0 : i32
    %c0_i32_2 = arith.constant 0 : i32
    return %c0_i32, %min3A_1 : i32, i32
  }
  func.func @transform_3(%arg0: i32) -> (i32, i32) {
    %add3A = arith.constant 48 : i32
    %add3A_0 = arith.addi %add3A, %arg0 : i32
    %min3A = arith.constant 61 : i32
    %min3A_1 = arith.minsi %add3A_0, %min3A : i32
    %c0_i32 = arith.constant 0 : i32
    %c0_i32_2 = arith.constant 0 : i32
    return %c0_i32, %min3A_1 : i32, i32
  }
  func.func @transform_4(%arg0: i32) -> (i32, i32) {
    %c0_i32 = arith.constant 0 : i32
    %c0_i32_0 = arith.constant 0 : i32
    return %arg0, %c0_i32 : i32, i32
  }
}

</mosaic_0001>

<sc_bundles>
// kernel: kernel.4.cloned.1.call-start
scs
__scs_entry_jumppad:
0x0: {  	(pc) =	sbr.rel $0x88, $3  }
0x1: {  	(tag) =	ssettag $0x0;
	lr =	simm.s32 $0x1  }
0x2: {  	[smem:$0x3F9E] =	sst lr;
	_ =	strace $0xD0000000  }
0x3: {  	_ = 	snop  }
0x4: {  	_ = 	snop  }
0x5: {  	_ = 	snop  }
0x6: {  	_ = 	snop  }
0x7: {  	_ = 	snop  }
__scs_overlays_trampoline_lowered:
0x8: {  	[smem:$0x3FAD] =	sst s0  }
0x9: {  	[smem:$0x3FAE] =	sst s1  }
0xa: {  	[smem:$0x3FAF] =	sst s2  }
0xb: {  	[smem:$0x3FB0] =	sst s3  }
0xc: {  	[smem:$0x3FB1] =	sst s4  }
0xd: {  	[smem:$0x3FB2] =	sst s5  }
0xe: {  	[smem:$0x3FB3] =	sst s6  }
0xf: {  	[smem:$0x3FB4] =	sst s7  }
0x10: {  	[smem:$0x3FB5] =	sst s8  }
0x11: {  	[smem:$0x3FB6] =	sst s9;
	s0 =	simm.s32 @!p0 $0x0  }
0x12: {  	s1 =	sld [smem:$0x3F9C];
	s0 =	simm.s32 @p0 $0x1  }
0x13: {  	[smem:$0x3FB7] =	sst s0;
	s0 =	simm.s32 @!p1 $0x0  }
0x14: {  	s2 =	sld [smem:$0x3F9B];
	s0 =	simm.s32 @p1 $0x1  }
0x15: {  	[smem:$0x3FB8] =	sst s0;
	s0 =	simm.s32 @!p2 $0x0  }
0x16: {  	s3 =	sld [smem:$0x3FDB];
	s0 =	simm.s32 @p2 $0x1  }
0x17: {  	s4 =	simm.s32 $0x1BF5;
	[smem:$0x3FBA] =	sst s0  }
0x18: {  	s0 =	sld [smem:$0x3F9D];
	_ =	swait.ge [sflag:s4], $0x0  }
0x19: {  	s7 =	sld [smem:$0x3F9E]  }
0x1a: {  	s8 =	sadd.s32 $0xFFFFE003, lr  }
0x1b: {  	s9 =	sadd.s32 $0xFFFFFEF7, lr;
	s5 =	simm.s32 $0xFFFFFFFF;
	p2 =	slt.u32 s8, $0xFFFFF086  }
0x1c: {  	p1 =	slt.u32 s9, $0xF7A;
	s5 =	simm.s32 @!p2 $0x0  }
0x1d: {  	s5 =	simm.s32 @p1 $0x1;
	p0 =	seq.s32 s7, s2  }
0x1e: {  	s7 =	smul.u32 @!p0 $0xF7A, s2;
	p2 =	seq.s32 @!p0 s5, $0x0  }
0x1f: {  	s9 =	smul.u32 $0xF7A, s1;
	s8 =	simm.s32 @!p0 $0x1BF5;
	p2 =	por !p2, p0  }
0x20: {  	[sflag:s8] =	ssyncset.s32 @!p0 $0xFFFFF086;
	s6 =	sadd.s32 @!p0 s3, s7;
	s7 =	simm.s32 @!p0 $0x108  }
0x21: {  	s3 =	sadd.s32 s3, s9;
	s6 =	sadd.s32 @!p0 $0x88, s6;
	s7 =	simm.s32 @p2 $0x1082  }
0x22: {  	[simem:s7], [sflag:s8] =	dma.local @!p0 [hbm:s6], $0xF7A  }
0x23: {  	s9 =	sor.u32 $0xD0000000, s2;
	s6 =	simm.s32 $0x108;
	_ =	swait.ge @!p0 [sflag:s8], $0x0  }
0x24: {  	s3 =	sadd.s32 $0x88, s3;
	s6 =	simm.s32 @!p1 $0x1082;
	[sflag:s4] =	ssyncset.s32 $0xFFFFF086  }
0x25: {  	[simem:s6], [sflag:s4] =	dma.local [hbm:s3], $0xF7A  }
0x26: {  	[smem:$0x3F9E] =	sst s1;
	(tag) =	ssettag s2;
	_ =	strace s9  }
0x27: {  	s1 =	sld [smem:$0x3FAE]  }
0x28: {  	s2 =	sld [smem:$0x3FAF]  }
0x29: {  	s4 =	sld [smem:$0x3FB1]  }
0x2a: {  	p0 =	seq.s32 s5, $0x0;
	s5 =	sld [smem:$0x3FB2]  }
0x2b: {  	s6 =	sld [smem:$0x3FB3]  }
0x2c: {  	s7 =	sld [smem:$0x3FB4]  }
0x2d: {  	s3 =	simm.s32 $0x108;
	s8 =	sld [smem:$0x3FB5]  }
0x2e: {  	s3 =	simm.s32 @!p0 $0x1082;
	s9 =	sld [smem:$0x3FB6]  }
0x2f: {  	lr =	sadd.s32 s0, s3;
	s0 =	sld [smem:$0x3FAD]  }
0x30: {  	s3 =	sld [smem:$0x3FB0]  }
0x31: {  	[smem:$0x3FB9] =	sst s10  }
0x32: {  	s10 =	sld [smem:$0x3FB7];
	_ =	sdelay $0x3  }
0x33: {  	p0 =	seq.s32 s10, $0x1;
	s10 =	sld [smem:$0x3FB9];
	_ =	sdelay $0x3  }
0x34: {  	[smem:$0x3FB9] =	sst s10  }
0x35: {  	s10 =	sld [smem:$0x3FB8];
	_ =	sdelay $0x3  }
0x36: {  	p1 =	seq.s32 s10, $0x1;
	s10 =	sld [smem:$0x3FB9];
	_ =	sdelay $0x3  }
0x37: {  	[smem:$0x3FB9] =	sst s10  }
0x38: {  	s10 =	sld [smem:$0x3FBA]  }
0x39: {  	_ = 	snop;
	(pc) =	sbr.ind lr, $3  }
0x3a: {  	_ = 	snop  }
0x3b: {  	_ = 	snop  }
0x3c: {  	p2 =	seq.s32 s10, $0x1;
	s10 =	sld [smem:$0x3FB9]  }
0x3d: {  	_ =	shalt  }
0x3e: {  	_ =	shalt  }
0x3f: {  	_ =	shalt  }
0x40: {  	_ =	shalt  }
0x41: {  	_ =	shalt  }
0x42: {  	_ =	shalt  }
0x43: {  	_ =	shalt  }
0x44: {  	_ =	shalt  }
0x45: {  	_ =	shalt  }
0x46: {  	_ =	shalt  }
0x47: {  	_ =	shalt  }
0x48: {  	_ =	shalt  }
0x49: {  	_ =	shalt  }
0x4a: {  	_ =	shalt  }
0x4b: {  	_ =	shalt  }
0x4c: {  	_ =	shalt  }
0x4d: {  	_ =	shalt  }
0x4e: {  	_ =	shalt  }
0x4f: {  	_ =	shalt  }
0x50: {  	_ =	shalt  }
0x51: {  	_ =	shalt  }
0x52: {  	_ =	shalt  }
0x53: {  	_ =	shalt  }
0x54: {  	_ =	shalt  }
0x55: {  	_ =	shalt  }
0x56: {  	_ =	shalt  }
0x57: {  	_ =	shalt  }
0x58: {  	_ =	shalt  }
0x59: {  	_ =	shalt  }
0x5a: {  	_ =	shalt  }
0x5b: {  	_ =	shalt  }
0x5c: {  	_ =	shalt  }
0x5d: {  	_ =	shalt  }
0x5e: {  	_ =	shalt  }
0x5f: {  	_ =	shalt  }
0x60: {  	_ =	shalt  }
0x61: {  	_ =	shalt  }
0x62: {  	_ =	shalt  }
0x63: {  	_ =	shalt  }
0x64: {  	_ =	shalt  }
0x65: {  	_ =	shalt  }
0x66: {  	_ =	shalt  }
0x67: {  	_ =	shalt  }
0x68: {  	_ =	shalt  }
0x69: {  	_ =	shalt  }
0x6a: {  	_ =	shalt  }
0x6b: {  	_ =	shalt  }
0x6c: {  	_ =	shalt  }
0x6d: {  	_ =	shalt  }
0x6e: {  	_ =	shalt  }
0x6f: {  	_ =	shalt  }
0x70: {  	_ =	shalt  }
0x71: {  	_ =	shalt  }
0x72: {  	_ =	shalt  }
0x73: {  	_ =	shalt  }
0x74: {  	_ =	shalt  }
0x75: {  	_ =	shalt  }
0x76: {  	_ =	shalt  }
0x77: {  	_ =	shalt  }
0x78: {  	_ =	shalt  }
0x79: {  	_ =	shalt  }
0x7a: {  	_ =	shalt  }
0x7b: {  	_ =	shalt  }
0x7c: {  	_ =	shalt  }
0x7d: {  	_ =	shalt  }
0x7e: {  	_ =	shalt  }
0x7f: {  	_ =	shalt  }
0x80: {  	_ =	shalt  }
0x81: {  	_ =	shalt  }
0x82: {  	_ =	shalt  }
0x83: {  	_ =	shalt  }
0x84: {  	_ =	shalt  }
0x85: {  	_ =	shalt  }
0x86: {  	_ =	shalt  }
0x87: {  	_ =	shalt  }
.Lfunc_end0:
.L_simem_size_0:
called_computation_lowered:
.L_overlay_start_0:
0x88: {  	s2 =	sld [smem:$0x3FD9]  }
0x89: {  	s3 =	sld [smem:$0x3FFE];
	_ =	sdelay $0x1  }
0x8a: {  	s1 =	srdreg.scid  }
0x8b: {  	s0 =	sand.u32 $0x1, s1  }
0x8c: {  	s14 =	sshll.u32 s0, $0xA;
	s2 =	sadd.s32 s3, s2  }
0x8d: {  	s2 =	sadd.s32 s2, s14  }
0x8e: {  	[smem:$0x3FC5] =	sst s2  }
0x8f: {  	_ = 	snop  }
0x90: {  	s2 =	sld [smem:$0x3FD0];
	_ =	sdelay $0x1  }
0x91: {  	s15 =	sld [smem:$0x3FC8]  }
0x92: {  	s5 =	simm.s32 $0xA;
	s6 =	simm.s32 $0x10;
	s4 =	sld [smem:$0x3FC7]  }
0x93: {  	[smem:s6], [sflag:s5] =	dma.local [hbm:s2], $0x1  }
0x94: {  	_ =	swait.eq [sflag:s5], $0x1  }
0x95: {  	[sflag:s5] =	ssyncset.done $0x0  }
0x96: {  	[sflag:s5] =	ssyncadd.s32 $0xFFFFFFFF  }
0x97: {  	s16 =	sld [smem:$0x10];
	(tm) =	ssettm $0x1  }
0x98: {  	s17 =	sld [smem:$0x3FFB];
	_ =	sdelay $0x3  }
0x99: {  	_ =	strace s17  }
0x9a: {  	s5 =	sld [smem:$0x3FFC];
	_ =	sdelay $0x3  }
0x9b: {  	_ =	strace s5  }
0x9c: {  	s5 =	sld [smem:$0x3FFD];
	_ =	sdelay $0x3  }
0x9d: {  	_ =	strace s5  }
0x9e: {  	_ =	strace $0x8FFFFFFF  }
0x9f: {  	s18 =	sld [smem:$0x3FDB];
	_ =	sdelay $0x1  }
0xa0: {  	s19 =	simm.s32 $_scs_section_size  }
0xa1: {  	s7 =	simm.s32 $_size__tile_overlayer_lowered;
	s8 =	simm.s32 $_tile_overlayer_lowered  }
0xa2: {  	s22 =	simm.s32 $0x1BFF;
	s21 =	sshll.u32 s8, $0x1;
	s5 =	sadd.s32 s19, s18  }
0xa3: {  	s9 =	simm.s32 $0x0;
	s20 =	sshll.u32 s7, $0x1;
	s7 =	sadd.s32 s21, s5  }
0xa4: {  	[timem:s9], [sflag:s22] =	dma.local [hbm:s7], s20  }
0xa5: {  	_ =	swait.ge [sflag:s22], s20  }
0xa6: {  	s6 =	ssub.s32 $0x0, s20;
	[sflag:s22] =	ssyncset.done $0x0  }
0xa7: {  	[sflag:s22] =	ssyncadd.s32 s6;
	_ =	sdelay $0x1  }
0xa8: {  	s23 =	simm.s32 $0x1B8B  }
0xa9: {  	_ =	swait.ge [sflag:s23], $0x1  }
0xaa: {  	[sflag:s23] =	ssyncset.done $0x0  }
0xab: {  	s25 =	simm.s32 $0x1B8E;
	s24 =	sld [smem:$0x3FFE];
	[sflag:s23] =	ssyncadd.s32 $0xFFFFFFFF  }
0xac: {  	s26 =	simm.s32 $execute0_lowered;
	[smem:$0x3FD2] =	sst s25  }
0xad: {  	s7 =	sshll.u32 s26, $0x1;
	_ =	strace $0x80000046;
	[dreg:$0x1] =	wrdreg $0xFFFFFFFF  }
0xae: {  	s28 =	simm.s32 $_size_execute0_lowered;
	s5 =	sadd.s32 s5, s7;
	[dreg:$0x0] =	wrdreg $0x0  }
0xaf: {  	s7 =	sshll.u32 s28, $0x1;
	[dreg:$0x2] =	wrdreg s5  }
0xb0: {  	[dreg:$0x3] =	wrdreg s7  }
0xb1: {  	[dreg:$0x4] =	wrdreg $0xC0  }
0xb2: {  	_ =	task [dreg:s9], $0x5FFFF  }
0xb3: {  	[dreg:$0x1] =	wrdreg $0xFFFFFFFF  }
0xb4: {  	[dreg:$0x0] =	wrdreg $0x60  }
0xb5: {  	[dreg:$0x2] =	wrdreg s24  }
0xb6: {  	[dreg:$0x3] =	wrdreg s15  }
0xb7: {  	[dreg:$0x4] =	wrdreg s4  }
0xb8: {  	[dreg:$0x5] =	wrdreg s16  }
0xb9: {  	[dreg:$0x6] =	wrdreg $0x9  }
0xba: {  	_ =	task.clear_ibuf [dreg:s9], $0x7FFFF;
	_ =	strace $0x90000046  }
0xbb: {  	s29 =	simm.s32 $0x9;
	_ =	strace $0x80000048  }
0xbc: {  	_ =	swait.ge [sflag:s29], $0x1  }
0xbd: {  	[sflag:s29] =	ssyncadd.s32 $0xFFFFFFFF  }
0xbe: {  	_ =	strace $0x90000048  }
0xbf: {  	_ =	sfence  }
0xc0: {  	s30 =	sld [smem:$0x0];
	_ =	sdelay $0x2  }
0xc1: {  	s31 =	sshll.u32 s1, $0xD;
	s1 =	sshrl.u32 s1, $0x2  }
0xc2: {  	s3 =	sand.u32 $0x4000, s31;
	s1 =	sadd.s32 s1, s30  }
0xc3: {  	s0 =	sor.u32 s3, s0;
	s1 =	sshll.u32 s1, $0x11  }
0xc4: {  	s0 =	sor.u32 s1, s0  }
0xc5: {  	s0 =	sadd.s32 $0x8F2B, s0  }
0xc6: {  	[sflag:s0] =	ssyncadd.remote.s32 $0x1  }
0xc7: {  	_ =	sfence.sel $0xFFFF  }
0xc8: {  	[dreg:$0x0] =	wrdreg $0xFFFFFFFF;
	(pc) =	sbr.abs _section_cstart, $3  }
0xc9: {  	[dreg:$0x1] =	wrdreg $0xFFFFFFFF  }
0xca: {  	_ =	task.clear_ibuf [dreg:s9], $0x2FFFF;
	_ =	strace $0x9FFFFFFF  }
0xcb: {  	(tm) =	ssettm $0x7FFFFFFF  }
tec
execute0_lowered:
.L_overlay_start_1:
0x0: {  	(tag) =	ssettag $0x1  }
0x1: {  	s1 =	rddreg [dreg:$0x0]  }
0x2: {  	s0 =	rddreg [dreg:$0x1]  }
0x3: {  	s2 =	rddreg [dreg:$0x2]  }
0x4: {  	s5 =	rddreg [dreg:$0x3];
	s4 =	srdreg.scid  }
0x5: {  	s11 =	stileid.u32;
	s3 =	simm.s32 $0x0;
	s19 =	simm.s32 $0x10D00  }
0x6: {  	s20 =	simm.s32 $0x880;
	s21 =	simm.s32 $0x11D00;
	s22 =	simm.s32 $0x900  }
0x7: {  	s23 =	simm.s32 $0x12D00;
	s24 =	simm.s32 $0x980;
	s28 =	simm.s32 $0x14D00  }
0x8: {  	s29 =	simm.s32 $0xA80;
	s30 =	simm.s32 $0x15D00;
	s31 =	simm.s32 $0xB00  }
0x9: {  	s12 =	simm.s32 $0x18D00;
	s13 =	simm.s32 $0xC80;
	s14 =	simm.s32 $0x19D00  }
0xa: {  	s15 =	simm.s32 $0x1;
	s16 =	simm.s32 $0x0;
	s4 =	sand.u32 $0x1, s4  }
0xb: {  	s6 =	sshll.u32 s11, $0x1;
	[smem:$0x7FF] =	sst s3;
	p0 =	sgt.u32 s11, $0xC  }
0xc: {  	s11 =	simm.s32 $0xD00;
	s6 =	sor.u32 s4, s6;
	_ =	strace $0x80000047  }
0xd: {  	s4 =	ssub.s32 $0x2, s4;
	s7 =	sshll.u32 s6, $0x1;
	s8 =	smul.u32 $0x1A0, s6  }
0xe: {  	s9 =	sshrl.u32 s4, $0x1;
	s10 =	sshll.u32 s6, $0x9;
	s6 =	smul.u32 $0x3400, s6  }
0xf: {  	s7 =	sadd.s32 s7, s1;
	s9 =	ssub.s32 s4, s9;
	s25 =	sadd.s32 s2, s10  }
.Ltmp0:
0x10: {  	s10 =	simm.s32 $0x80;
	s2 =	simm.s32 $0xB80;
	(pc) =	sbr.rel .LBB2_1-.Ltmp0, $4  }
0x11: {  	s4 =	sadd.s32 s0, s8;
	[dreg:$0x5] =	wrdreg s25;
	s26 =	sadd.s32 $0x400000, s7  }
0x12: {  	s7 =	sadd.s32 s5, s6;
	s8 =	smax.u32 s9, $0x1;
	s9 =	simm.s32 $0x2  }
0x13: {  	s25 =	simm.s32 $0x13D00;
	s0 =	simm.s32 $0x16D00;
	s5 =	simm.s32 $0x17D00  }
0x14: {  	s6 =	simm.s32 $0xC00;
	[dreg:$0x6] =	wrdreg s26;
	s26 =	simm.s32 $0xA00  }
.LBB2_6:
0x15: {  	v0 =	vadd.s32 v0, v1  }
0x16: {  	s17 =	rddreg [dreg:$0x6];
	s18 =	simm.s32 $0x1BD00;
	[tilespmem:$0x1BD00] =	vst v0  }
0x17: {  	[hbm4b:s17+s3] =	stream.linear.scatter [tilespmem:s18], [sflag:$0x2], $0x10, $0x38;
	[tilespmem:$0x1BD10] =	vst v63  }
0x18: {  	_ =	swait.ge [sflag:s9], $0x10  }
0x19: {  	[sflag:s9] =	ssyncset.done $0x0  }
0x1a: {  	s19 =	simm.s32 $0x10D00;
	[sflag:s9] =	ssyncadd.s32 $0xFFFFFFF0  }
.LBB2_7:
0x1b: {  	_ =	swait.ge [sflag:s15], $0x1A000;
	s16 =	sadd.s32 $0x1, s16  }
0x1c: {  	[sflag:s15] =	ssyncset.done $0x0;
	p1 =	sne.s32 s16, s8  }
.Ltmp1:
0x1d: {  	[sflag:s15] =	ssyncadd.s32 $0xFFFE6000;
	(pc) =	sbr.rel @!p1 .LBB2_8-.Ltmp1, $4  }
0x1e: {  	[hbm4b:s7+s3] =	stream.linear.scatter [tilespmem:s11], [sflag:$0x2], $0x1A000, $0x38;
	[tilespmem:$0x1BD10] =	vst v63  }
0x1f: {  	_ =	swait.ge [sflag:s9], $0x1A000  }
0x20: {  	[sflag:s9] =	ssyncset.done $0x0  }
0x21: {  	[sflag:s9] =	ssyncadd.s32 $0xFFFE6000  }
.LBB2_1:
0x22: {  	[tilespmem:s3], [sflag:$0x2] =	stream.linear.gather [hbm4b:s4+s3], $0xD00, $0x38;
	[tilespmem:$0x1BD10] =	vst v63  }
0x23: {  	_ =	swait.ge [sflag:s9], $0xD00  }
0x24: {  	[sflag:s9] =	ssyncset.done $0x0  }
0x25: {  	s17 =	simm.s32 $0x0;
	s18 =	simm.s32 $0x40;
	[sflag:s9] =	ssyncadd.s32 $0xFFFFF300  }
.LBB2_2:
0x26: {  	p1 =	sne.s32 s18, $0x33C0;
	v0 =	vld [tilespmem:s17+$0x0];
	_ =	sdelay $0x4  }
0x27: {  	v1 =	vadd.s32 $0xFFFC0000, v0;
	v2 =	vadd.s32 $0xFFF80000, v0  }
0x28: {  	v3 =	vadd.s32 $0xFFF40000, v0;
	v1 =	vshra.s32 v1, $0x1F;
	v2 =	vshra.s32 v2, $0x1F  }
0x29: {  	v1 =	vadd.s32 v2, v1;
	v2 =	vshra.s32 v3, $0x1F  }
0x2a: {  	v1 =	vadd.s32 v2, v1  }
.Ltmp2:
0x2b: {  	v1 =	vmul.u32 $0xFFF00001, v1;
	(pc) =	sbr.rel @p1 .LBB2_2-.Ltmp2, $4  }
0x2c: {  	v0 =	vshll.u32 v0, $0x2  }
0x2d: {  	v0 =	vadd.s32 v1, v0  }
0x2e: {  	v0 =	vadd.s32 $0xFFD00003, v0  }
0x2f: {  	[tilespmem:s17+$0x0] =	vst v0;
	s17 =	sshra.s32 s18, $0x2;
	s18 =	sadd.s32 $0x40, s18  }
0x30: {  	v0 =	vld [tilespmem:s17+$0x0];
	_ =	sdelay $0x4  }
0x31: {  	v1 =	vadd.s32 $0xFFFC0000, v0;
	v2 =	vadd.s32 $0xFFF80000, v0  }
0x32: {  	v3 =	vadd.s32 $0xFFF40000, v0;
	v1 =	vshra.s32 v1, $0x1F;
	v2 =	vshra.s32 v2, $0x1F  }
0x33: {  	v63 =	vshra.s32 v3, $0x1F;
	v1 =	vadd.s32 v2, v1  }
0x34: {  	v1 =	vadd.s32 v63, v1  }
0x35: {  	v1 =	vmul.u32 $0xFFF00001, v1  }
0x36: {  	v0 =	vshll.u32 v0, $0x2  }
0x37: {  	v0 =	vadd.s32 v1, v0  }
0x38: {  	v0 =	vadd.s32 $0xFFD00003, v0  }
0x39: {  	[tilespmem:s17+$0x0] =	vst v0  }
0x3a: {  	[tilespmem:s11], [sflag:$0x1] =	stream.indirect.gather [hbm4b:s1+s10], $0x20, s3, s10, $0xb8;
	[tilespmem:$0x1BD10] =	vst v63  }
0x3b: {  	s18 =	simm.s32 $0x1D00  }
0x3c: {  	[tilespmem:s18], [sflag:$0x1] =	stream.indirect.gather [hbm4b:s1+s10], $0x20, s10, s10, $0xb8;
	[tilespmem:$0x1BD10] =	vst v63  }
0x3d: {  	s17 =	simm.s32 $0x100;
	s18 =	simm.s32 $0x2D00  }
0x3e: {  	[tilespmem:s18], [sflag:$0x1] =	stream.indirect.gather [hbm4b:s1+s10], $0x20, s17, s10, $0xb8;
	[tilespmem:$0x1BD10] =	vst v63  }
0x3f: {  	s17 =	simm.s32 $0x180;
	s18 =	simm.s32 $0x3D00  }
0x40: {  	[tilespmem:s18], [sflag:$0x1] =	stream.indirect.gather [hbm4b:s1+s10], $0x20, s17, s10, $0xb8;
	[tilespmem:$0x1BD10] =	vst v63  }
0x41: {  	s17 =	simm.s32 $0x200;
	s18 =	simm.s32 $0x4D00  }
0x42: {  	[tilespmem:s18], [sflag:$0x1] =	stream.indirect.gather [hbm4b:s1+s10], $0x20, s17, s10, $0xb8;
	[tilespmem:$0x1BD10] =	vst v63  }
0x43: {  	s17 =	simm.s32 $0x280;
	s18 =	simm.s32 $0x5D00  }
0x44: {  	[tilespmem:s18], [sflag:$0x1] =	stream.indirect.gather [hbm4b:s1+s10], $0x20, s17, s10, $0xb8;
	[tilespmem:$0x1BD10] =	vst v63  }
0x45: {  	s17 =	simm.s32 $0x300;
	s18 =	simm.s32 $0x6D00  }
0x46: {  	[tilespmem:s18], [sflag:$0x1] =	stream.indirect.gather [hbm4b:s1+s10], $0x20, s17, s10, $0xb8;
	[tilespmem:$0x1BD10] =	vst v63  }
0x47: {  	s17 =	simm.s32 $0x380;
	s18 =	simm.s32 $0x7D00  }
0x48: {  	[tilespmem:s18], [sflag:$0x1] =	stream.indirect.gather [hbm4b:s1+s10], $0x20, s17, s10, $0xb8;
	[tilespmem:$0x1BD10] =	vst v63  }
0x49: {  	s17 =	simm.s32 $0x400;
	s18 =	simm.s32 $0x8D00  }
0x4a: {  	[tilespmem:s18], [sflag:$0x1] =	stream.indirect.gather [hbm4b:s1+s10], $0x20, s17, s10, $0xb8;
	[tilespmem:$0x1BD10] =	vst v63  }
0x4b: {  	s17 =	simm.s32 $0x480;
	s18 =	simm.s32 $0x9D00  }
0x4c: {  	[tilespmem:s18], [sflag:$0x1] =	stream.indirect.gather [hbm4b:s1+s10], $0x20, s17, s10, $0xb8;
	[tilespmem:$0x1BD10] =	vst v63  }
0x4d: {  	s17 =	simm.s32 $0x500;
	s18 =	simm.s32 $0xAD00  }
0x4e: {  	[tilespmem:s18], [sflag:$0x1] =	stream.indirect.gather [hbm4b:s1+s10], $0x20, s17, s10, $0xb8;
	[tilespmem:$0x1BD10] =	vst v63  }
0x4f: {  	s17 =	simm.s32 $0x580;
	s18 =	simm.s32 $0xBD00  }
0x50: {  	[tilespmem:s18], [sflag:$0x1] =	stream.indirect.gather [hbm4b:s1+s10], $0x20, s17, s10, $0xb8;
	[tilespmem:$0x1BD10] =	vst v63  }
0x51: {  	s17 =	simm.s32 $0x600;
	s18 =	simm.s32 $0xCD00  }
0x52: {  	[tilespmem:s18], [sflag:$0x1] =	stream.indirect.gather [hbm4b:s1+s10], $0x20, s17, s10, $0xb8;
	[tilespmem:$0x1BD10] =	vst v63  }
0x53: {  	s17 =	simm.s32 $0x680;
	s18 =	simm.s32 $0xDD00  }
0x54: {  	[tilespmem:s18], [sflag:$0x1] =	stream.indirect.gather [hbm4b:s1+s10], $0x20, s17, s10, $0xb8;
	[tilespmem:$0x1BD10] =	vst v63  }
0x55: {  	s17 =	simm.s32 $0x700;
	s18 =	simm.s32 $0xED00  }
0x56: {  	[tilespmem:s18], [sflag:$0x1] =	stream.indirect.gather [hbm4b:s1+s10], $0x20, s17, s10, $0xb8;
	[tilespmem:$0x1BD10] =	vst v63  }
0x57: {  	s17 =	simm.s32 $0x780;
	s18 =	simm.s32 $0xFD00  }
0x58: {  	[tilespmem:s18], [sflag:$0x1] =	stream.indirect.gather [hbm4b:s1+s10], $0x20, s17, s10, $0xb8;
	[tilespmem:$0x1BD10] =	vst v63  }
0x59: {  	s18 =	simm.s32 $0x800  }
0x5a: {  	[tilespmem:s19], [sflag:$0x1] =	stream.indirect.gather [hbm4b:s1+s10], $0x20, s18, s10, $0xb8;
	[tilespmem:$0x1BD10] =	vst v63  }
0x5b: {  	_ = 	snop  }
0x5c: {  	[tilespmem:s21], [sflag:$0x1] =	stream.indirect.gather [hbm4b:s1+s10], $0x20, s20, s10, $0xb8;
	[tilespmem:$0x1BD10] =	vst v63  }
0x5d: {  	_ = 	snop  }
0x5e: {  	[tilespmem:s23], [sflag:$0x1] =	stream.indirect.gather [hbm4b:s1+s10], $0x20, s22, s10, $0xb8;
	[tilespmem:$0x1BD10] =	vst v63  }
0x5f: {  	_ = 	snop  }
0x60: {  	[tilespmem:s25], [sflag:$0x1] =	stream.indirect.gather [hbm4b:s1+s10], $0x20, s24, s10, $0xb8;
	[tilespmem:$0x1BD10] =	vst v63  }
0x61: {  	_ = 	snop  }
0x62: {  	[tilespmem:s28], [sflag:$0x1] =	stream.indirect.gather [hbm4b:s1+s10], $0x20, s26, s10, $0xb8;
	[tilespmem:$0x1BD10] =	vst v63  }
0x63: {  	_ = 	snop  }
0x64: {  	[tilespmem:s30], [sflag:$0x1] =	stream.indirect.gather [hbm4b:s1+s10], $0x20, s29, s10, $0xb8;
	[tilespmem:$0x1BD10] =	vst v63  }
0x65: {  	_ = 	snop  }
0x66: {  	[tilespmem:s0], [sflag:$0x1] =	stream.indirect.gather [hbm4b:s1+s10], $0x20, s31, s10, $0xb8;
	[tilespmem:$0x1BD10] =	vst v63  }
0x67: {  	_ = 	snop  }
0x68: {  	[tilespmem:s5], [sflag:$0x1] =	stream.indirect.gather [hbm4b:s1+s10], $0x20, s2, s10, $0xb8;
	[tilespmem:$0x1BD10] =	vst v63  }
.Ltmp3:
0x69: {  	_ = 	snop;
	(pc) =	sbr.rel @p0 .LBB2_7-.Ltmp3, $4  }
0x6a: {  	_ = 	snop  }
0x6b: {  	[tilespmem:s12], [sflag:$0x1] =	stream.indirect.gather [hbm4b:s1+s10], $0x20, s6, s10, $0xb8;
	[tilespmem:$0x1BD10] =	vst v63  }
0x6c: {  	_ = 	snop  }
0x6d: {  	[tilespmem:s14], [sflag:$0x1] =	stream.indirect.gather [hbm4b:s1+s10], $0x20, s13, s10, $0xb8;
	[tilespmem:$0x1BD10] =	vst v63  }
0x6e: {  	s17 =	simm.s32 $0x0;
	s18 =	rddreg [dreg:$0x5];
	s19 =	simm.s32 $0x1AD00  }
0x6f: {  	[tilespmem:s19], [sflag:$0x2] =	stream.linear.gather [hbm4b:s18+s17], $0x1000, $0x38;
	[tilespmem:$0x1BD10] =	vst v63  }
0x70: {  	_ =	swait.ge [sflag:s9], $0x1000  }
0x71: {  	[sflag:s9] =	ssyncset.done $0x0  }
0x72: {  	s19 =	simm.s32 $0x0;
	[sflag:s9] =	ssyncadd.s32 $0xFFFFF000  }
0x73: {  	v0 =	vimm.s32 $0x0;
	s17 =	simm.s32 $0x40;
	v1 =	vld [tilespmem:s19+$0x1AD00]  }
.LBB2_5:
0x74: {  	p1 =	sne.s32 s17, $0x3FC0  }
.Ltmp4:
0x75: {  	_ = 	snop;
	(pc) =	sbr.rel @p1 .LBB2_5-.Ltmp4, $3  }
0x76: {  	_ =	sdelay $0x1  }
0x77: {  	s18 =	sshra.s32 s17, $0x2;
	s17 =	sadd.s32 $0x40, s17;
	v0 =	vadd.s32 v0, v1  }
0x78: {  	v1 =	vld [tilespmem:s18+$0x1AD00]  }
.Ltmp5:
0x79: {  	_ = 	snop;
	(pc) =	sbr.rel .LBB2_6-.Ltmp5, $1  }
0x7a: {  	_ =	sdelay $0x3  }
.LBB2_8:
0x7b: {  	_ =	sfence.sel $0x180000  }
0x7c: {  	[bflag:$0x0] =	sbarrier.arrive $0xFFFF  }
0x7d: {  	_ =	strace $0x90000047  }
0x7e: {  	s0 =	stileid.u32;
	[bflag:$0x2] =	sbarrier.arrive $0xFFFF  }
0x7f: {  	p0 =	sne.s32 s0, $0x0;
	s0 =	rddreg [dreg:$0x4]  }
0x80: {  	s0 =	sadd.s32 @!p0 $0x100000, s0  }
0x81: {  	[sflag:s0] =	ssyncadd.tile.s32 @!p0 $0x1;
	_ =	shalt  }
.Lfunc_end2:
_tile_overlayer_lowered:
.L_overlay_start_2:
0x82: {  	(tag) =	ssettag $0x2  }
0x83: {  	s0 =	rddreg [dreg:$0x0];
	s2 =	stileid.u32  }
0x84: {  	s1 =	rddreg [dreg:$0x1];
	p0 =	sne.s32 s2, $0x0  }
0x85: {  	s3 =	rddreg [dreg:$0x2];
	[bflag:$0x3] =	sbarrier.arrive $0xFFFF;
	s2 =	simm.s32 @!p0 $0x1C02  }
0x86: {  	[timem:s3], [sflag:s2] =	dma.local @!p0 [hbm:s0], s1  }
0x87: {  	s0 =	simm.s32 @!p0 $0x2  }
0x88: {  	_ =	swait.ge @!p0 [sflag:s0], s1  }
0x89: {  	s1 =	ssub.s32 @!p0 $0x0, s1;
	[sflag:s0] =	ssyncset.done @!p0 $0x0  }
0x8a: {  	[sflag:s0] =	ssyncadd.s32 @!p0 s1  }
0x8b: {  	[bflag:$0x3] =	sbarrier.arrive $0xFFFF  }
0x8c: {  	_ =	shalt  }

</sc_bundles>
